<compile_context>
chip_gen: v7x
topology: tpu7x:2x2x1
jax: 0.10.2.dev20260603
libtpu: 0.0.44.dev20260713+nightly
codegen_flags: <defaults>
</compile_context>

<pallas_src>
import functools

import jax
import jax.numpy as jnp
from jax import lax
from jax.experimental import pallas as pl
from jax.experimental.pallas import tpu as pltpu
from jax.experimental.pallas import tpu_sc as plsc

_CH = 64
_NK = 8
_NB = 7


def kernel(queries, query_positions, query_batch_offsets, background_queries):
    n, d = queries.shape
    p = query_positions.shape[-1]
    b = query_batch_offsets.shape[0] - 1
    l = n // b
    bg2d = background_queries.reshape(b, d)

    mesh = plsc.VectorSubcoreMesh(core_axis_name="c", subcore_axis_name="s")

    @functools.partial(
        pl.kernel,
        out_type=[
            jax.ShapeDtypeStruct((b * (l + 1), d), queries.dtype),
            jax.ShapeDtypeStruct((b + 1,), query_batch_offsets.dtype),
        ],
        mesh=mesh,
        scratch_types=(
            [pltpu.VMEM((_CH, d), jnp.float32) for _ in range(_NB)]
            + [pltpu.VMEM((_CH,), jnp.int32) for _ in range(_NK)]
            + [
                pltpu.VMEM((b, d), jnp.float32),
                pltpu.VMEM((16,), jnp.int32),
                pltpu.VMEM((32,), jnp.int32),
            ]
            + [pltpu.SemaphoreType.DMA for _ in range(2 * _NB)]
        ),
    )
    def sc_copy(q_hbm, bg_hbm, offs_hbm, qo_hbm, oo_hbm, *refs):
        bufs = refs[0:_NB]
        idxs = refs[_NB:_NB + _NK]
        bgv, bgi, offs_v = refs[_NB + _NK:_NB + _NK + 3]
        sems = refs[_NB + _NK + 3:]
        si = sems[0:_NB]
        so = sems[_NB:2 * _NB]

        wid = lax.axis_index("s") * 2 + lax.axis_index("c")
        img = wid // 2
        h = wid % 2
        src0 = img * l + h * (_NK * _CH)
        dst0 = img * (l + 1) + h * (_NK * _CH)

        def in_cp(k):
            j = k % _NB
            row = pl.multiple_of(src0 + k * _CH, 8)
            return pltpu.async_copy(q_hbm.at[pl.ds(row, _CH)], bufs[j], si[j])

        def out_cp(k):
            j = k % _NB
            c0 = dst0 + k * _CH
            idx = idxs[k]
            for t in range(_CH // 16):
                idx[pl.ds(t * 16, 16)] = c0 + t * 16 + lax.iota(jnp.int32, 16)
            return pltpu.async_copy(bufs[j], qo_hbm.at[idx], so[j])

        h_in = [None] * _NK
        h_out = [None] * _NK
        for k in range(min(_NB, _NK)):
            h_in[k] = in_cp(k)
        for k in range(_NK):
            h_in[k].wait()
            h_out[k] = out_cp(k)
            if k + _NB < _NK:
                h_out[k].wait()
                h_in[k + _NB] = in_cp(k + _NB)
        for k in range(_NK):
            if k + _NB >= _NK:
                h_out[k].wait()

        @pl.when(wid == 0)
        def _():
            pltpu.sync_copy(bg_hbm, bgv)
            bgi[pl.ds(0, 16)] = l + (l + 1) * lax.iota(jnp.int32, 16)
            pltpu.sync_copy(bgv, qo_hbm.at[bgi])

        @pl.when(wid == 1)
        def _():
            pltpu.sync_copy(offs_hbm, offs_v.at[pl.ds(0, b + 1)])
            i16 = lax.iota(jnp.int32, 16)
            offs_v[pl.ds(0, 16)] = offs_v[pl.ds(0, 16)] + i16
            offs_v[pl.ds(16, 16)] = offs_v[pl.ds(16, 16)] + i16 + 16
            pltpu.sync_copy(offs_v.at[pl.ds(0, b + 1)], oo_hbm)

    qo, new_offsets = sc_copy(queries, bg2d, query_batch_offsets)

    pos_out = jnp.concatenate(
        [
            query_positions.reshape(b, l, p),
            jnp.zeros((b, 1, p), query_positions.dtype),
        ],
        axis=1,
    ).reshape(b * (l + 1), p)

    is_background = jnp.zeros((b, l + 1), dtype=bool).at[:, l].set(True).reshape(-1)
    return (qo, pos_out, new_offsets, is_background)

# --- scband reference (transcript-rebuilt; emitter-appended) ---
"""Pipeline reference for scband-patched-segmentation-map-predictor-26980984553717 (READ-ONLY COPY).

The authoritative reference and input builder live on the scoring server;
editing this copy changes nothing except your own understanding.
"""

import jax, jax.numpy as jnp
import numpy as np

B = 16
L = 1024  # queries per image (equal-length ragged layout)
D = 256   # embed_dim
P = 4     # position_dim


def setup_inputs(seed: int = 0) -> dict:
    key = jax.random.key(seed)
    k1, k2, k3 = jax.random.split(key, 3)
    queries = jax.random.normal(k1, (B * L, D), dtype=jnp.float32)
    query_positions = jax.random.uniform(k2, (B * L, P), dtype=jnp.float32)
    # batch offsets: arange(B+1) scaled by per-image length L (equal-length segments)
    query_batch_offsets = jnp.arange(B + 1, dtype=jnp.int32) * L
    background_queries = jax.random.normal(k3, (B, 1, D), dtype=jnp.float32)
    return {
        "queries": queries,
        "query_positions": query_positions,
        "query_batch_offsets": query_batch_offsets,
        "background_queries": background_queries,
    }


def reference(queries, query_positions, query_batch_offsets, background_queries):
    # Faithful jax translation of stack_bg_onto_queries with dn_info_dict=None,
    # attn_mask=None (no denoising path).
    batch_size = query_batch_offsets.shape[0] - 1
    seg_len = queries.shape[0] // batch_size
    zero_pos = jnp.zeros((1, query_positions.shape[-1]), dtype=query_positions.dtype)
    q = queries.reshape(batch_size, seg_len, queries.shape[-1])
    p = query_positions.reshape(batch_size, seg_len, query_positions.shape[-1])
    queries_with_bg = jnp.concatenate([q, background_queries], axis=1).reshape(
        -1, queries.shape[-1]
    )
    zp = jnp.broadcast_to(
        zero_pos[None, :, :], (batch_size, 1, query_positions.shape[-1])
    )
    pos_with_bg = jnp.concatenate([p, zp], axis=1).reshape(
        -1, query_positions.shape[-1]
    )
    is_background = jnp.concatenate(
        [
            jnp.zeros((batch_size, seg_len), dtype=bool),
            jnp.ones((batch_size, background_queries.shape[1]), dtype=bool),
        ],
        axis=1,
    ).reshape(-1)
    new_offsets = query_batch_offsets + jnp.arange(
        batch_size + 1, dtype=query_batch_offsets.dtype
    )
    return (queries_with_bg, pos_with_bg, new_offsets, is_background)

if __name__ == "__main__":
    import jax
    _d = setup_inputs()
    print(jax.jit(kernel)(*tuple(_d.values())))

</pallas_src>

<mosaic_0001>
#map = affine_map<(d0, d1) -> (0, 0)>
#map1 = affine_map<(d0, d1) -> (0)>
module attributes {stable_mosaic.version = 14 : i64} {
  func.func @sc_copy(%arg0: i32, %arg1: i32, %arg2: memref<16384x256xf32, #tpu.memory_space<hbm>>, %arg3: memref<16x256xf32, #tpu.memory_space<hbm>>, %arg4: memref<17xi32, #tpu.memory_space<hbm>>, %arg5: memref<16400x256xf32, #tpu.memory_space<hbm>>, %arg6: memref<17xi32, #tpu.memory_space<hbm>>, %arg7: memref<64x256xf32, #tpu.memory_space<vmem>>, %arg8: memref<64x256xf32, #tpu.memory_space<vmem>>, %arg9: memref<64x256xf32, #tpu.memory_space<vmem>>, %arg10: memref<64x256xf32, #tpu.memory_space<vmem>>, %arg11: memref<64x256xf32, #tpu.memory_space<vmem>>, %arg12: memref<64x256xf32, #tpu.memory_space<vmem>>, %arg13: memref<64x256xf32, #tpu.memory_space<vmem>>, %arg14: memref<64xi32, #tpu.memory_space<vmem>>, %arg15: memref<64xi32, #tpu.memory_space<vmem>>, %arg16: memref<64xi32, #tpu.memory_space<vmem>>, %arg17: memref<64xi32, #tpu.memory_space<vmem>>, %arg18: memref<64xi32, #tpu.memory_space<vmem>>, %arg19: memref<64xi32, #tpu.memory_space<vmem>>, %arg20: memref<64xi32, #tpu.memory_space<vmem>>, %arg21: memref<64xi32, #tpu.memory_space<vmem>>, %arg22: memref<16x256xf32, #tpu.memory_space<vmem>>, %arg23: memref<16xi32, #tpu.memory_space<vmem>>, %arg24: memref<32xi32, #tpu.memory_space<vmem>>, %arg25: memref<!tpu.dma_semaphore, #tpu.memory_space<semaphore_mem>>, %arg26: memref<!tpu.dma_semaphore, #tpu.memory_space<semaphore_mem>>, %arg27: memref<!tpu.dma_semaphore, #tpu.memory_space<semaphore_mem>>, %arg28: memref<!tpu.dma_semaphore, #tpu.memory_space<semaphore_mem>>, %arg29: memref<!tpu.dma_semaphore, #tpu.memory_space<semaphore_mem>>, %arg30: memref<!tpu.dma_semaphore, #tpu.memory_space<semaphore_mem>>, %arg31: memref<!tpu.dma_semaphore, #tpu.memory_space<semaphore_mem>>, %arg32: memref<!tpu.dma_semaphore, #tpu.memory_space<semaphore_mem>>, %arg33: memref<!tpu.dma_semaphore, #tpu.memory_space<semaphore_mem>>, %arg34: memref<!tpu.dma_semaphore, #tpu.memory_space<semaphore_mem>>, %arg35: memref<!tpu.dma_semaphore, #tpu.memory_space<semaphore_mem>>, %arg36: memref<!tpu.dma_semaphore, #tpu.memory_space<semaphore_mem>>, %arg37: memref<!tpu.dma_semaphore, #tpu.memory_space<semaphore_mem>>, %arg38: memref<!tpu.dma_semaphore, #tpu.memory_space<semaphore_mem>>) attributes {dimension_semantics = [#tpu.dimension_semantics<core_parallel>, #tpu.dimension_semantics<subcore_parallel>], iteration_bounds = array<i64: 2, 16>, scalar_prefetch = 0 : i64, scratch_operands = 32 : i64, tpu.core_type = #tpu.core_type<sc_vector_subcore>, window_params = [{transform_indices = #map}, {transform_indices = #map}, {transform_indices = #map1}, {transform_indices = #map}, {transform_indices = #map1}]} {
    %mul3A = arith.constant 2 : i32
    %mul3A_0 = arith.muli %arg1, %mul3A : i32
    %add3A = arith.addi %mul3A_0, %arg0 : i32
    %jit3A = arith.constant 2 : i32
    %div3A = arith.divsi %add3A, %jit3A : i32
    %sign3A = arith.constant 0 : i32
    %sign3A_1 = arith.cmpi sgt, %add3A, %sign3A : i32
    %sign3A_2 = arith.extui %sign3A_1 : i1 to i32
    %sign3A_3 = arith.constant 0 : i32
    %sign3A_4 = arith.cmpi slt, %add3A, %sign3A_3 : i32
    %sign3A_5 = arith.extui %sign3A_4 : i1 to i32
    %sign3A_6 = arith.subi %sign3A_2, %sign3A_5 : i32
    %sign3A_7 = arith.constant 0 : i32
    %sign3A_8 = arith.cmpi sgt, %jit3A, %sign3A_7 : i32
    %sign3A_9 = arith.extui %sign3A_8 : i1 to i32
    %sign3A_10 = arith.constant 0 : i32
    %sign3A_11 = arith.cmpi slt, %jit3A, %sign3A_10 : i32
    %sign3A_12 = arith.extui %sign3A_11 : i1 to i32
    %sign3A_13 = arith.subi %sign3A_9, %sign3A_12 : i32
    %ne3A = arith.cmpi ne, %sign3A_6, %sign3A_13 : i32
    %rem3A = arith.remsi %add3A, %jit3A : i32
    %ne3A_14 = arith.constant 0 : i32
    %ne3A_15 = arith.cmpi ne, %rem3A, %ne3A_14 : i32
    %and3A = arith.andi %ne3A, %ne3A_15 : i1
    %sub3A = arith.constant 1 : i32
    %sub3A_16 = arith.subi %div3A, %sub3A : i32
    %select_n3A = arith.select %and3A, %sub3A_16, %div3A : i32
    %jit3A_17 = arith.constant 2 : i32
    %eq3A = arith.constant 0 : i32
    %eq3A_18 = arith.cmpi eq, %jit3A_17, %eq3A : i32
    %jit3A_19 = arith.constant 1 : i32
    %select_n3A_20 = arith.select %eq3A_18, %jit3A_19, %jit3A_17 : i32
    %rem3A_21 = arith.remsi %add3A, %select_n3A_20 : i32
    %ne3A_22 = arith.constant 0 : i32
    %ne3A_23 = arith.cmpi ne, %rem3A_21, %ne3A_22 : i32
    %lt3A = arith.constant 0 : i32
    %lt3A_24 = arith.cmpi slt, %rem3A_21, %lt3A : i32
    %lt3A_25 = arith.constant 0 : i32
    %lt3A_26 = arith.cmpi slt, %select_n3A_20, %lt3A_25 : i32
    %ne3A_27 = arith.xori %lt3A_24, %lt3A_26 : i1
    %and3A_28 = arith.andi %ne3A_27, %ne3A_23 : i1
    %add3A_29 = arith.addi %rem3A_21, %select_n3A_20 : i32
    %select_n3A_30 = arith.select %and3A_28, %add3A_29, %rem3A_21 : i32
    %mul3A_31 = arith.constant 1024 : i32
    %mul3A_32 = arith.muli %select_n3A, %mul3A_31 : i32
    %mul3A_33 = arith.constant 512 : i32
    %mul3A_34 = arith.muli %select_n3A_30, %mul3A_33 : i32
    %add3A_35 = arith.addi %mul3A_32, %mul3A_34 : i32
    %mul3A_36 = arith.constant 1025 : i32
    %mul3A_37 = arith.muli %select_n3A, %mul3A_36 : i32
    %mul3A_38 = arith.constant 512 : i32
    %mul3A_39 = arith.muli %select_n3A_30, %mul3A_38 : i32
    %add3A_40 = arith.addi %mul3A_37, %mul3A_39 : i32
    %add3A_41 = arith.constant 0 : i32
    %add3A_42 = arith.addi %add3A_35, %add3A_41 : i32
    %multiple_of3A = tpu.assume_multiple %add3A_42, 8 : i32
    %dma_start3A = arith.constant 0 : i32
    %dma_start3A_43 = tpu.memref_slice %arg2[%multiple_of3A, %dma_start3A] : memref<16384x256xf32, #tpu.memory_space<hbm>> -> memref<64x256xf32, #tpu.memory_space<hbm>>
    %dma_start3A_44 = arith.constant 0 : i32
    %dma_start3A_45 = tpu.memref_slice %arg2[%multiple_of3A, %dma_start3A_44] : memref<16384x256xf32, #tpu.memory_space<hbm>> -> memref<64x256xf32, #tpu.memory_space<hbm>>
    tpu.enqueue_dma source(%dma_start3A_45 : memref<64x256xf32, #tpu.memory_space<hbm>>) target(%arg7 : memref<64x256xf32, #tpu.memory_space<vmem>>) target_semaphore(%arg25 : memref<!tpu.dma_semaphore, #tpu.memory_space<semaphore_mem>>)
    %add3A_46 = arith.constant 64 : i32
    %add3A_47 = arith.addi %add3A_35, %add3A_46 : i32
    %multiple_of3A_48 = tpu.assume_multiple %add3A_47, 8 : i32
    %dma_start3A_49 = arith.constant 0 : i32
    %dma_start3A_50 = tpu.memref_slice %arg2[%multiple_of3A_48, %dma_start3A_49] : memref<16384x256xf32, #tpu.memory_space<hbm>> -> memref<64x256xf32, #tpu.memory_space<hbm>>
    %dma_start3A_51 = arith.constant 0 : i32
    %dma_start3A_52 = tpu.memref_slice %arg2[%multiple_of3A_48, %dma_start3A_51] : memref<16384x256xf32, #tpu.memory_space<hbm>> -> memref<64x256xf32, #tpu.memory_space<hbm>>
    tpu.enqueue_dma source(%dma_start3A_52 : memref<64x256xf32, #tpu.memory_space<hbm>>) target(%arg8 : memref<64x256xf32, #tpu.memory_space<vmem>>) target_semaphore(%arg26 : memref<!tpu.dma_semaphore, #tpu.memory_space<semaphore_mem>>)
    %add3A_53 = arith.constant 128 : i32
    %add3A_54 = arith.addi %add3A_35, %add3A_53 : i32
    %multiple_of3A_55 = tpu.assume_multiple %add3A_54, 8 : i32
    %dma_start3A_56 = arith.constant 0 : i32
    %dma_start3A_57 = tpu.memref_slice %arg2[%multiple_of3A_55, %dma_start3A_56] : memref<16384x256xf32, #tpu.memory_space<hbm>> -> memref<64x256xf32, #tpu.memory_space<hbm>>
    %dma_start3A_58 = arith.constant 0 : i32
    %dma_start3A_59 = tpu.memref_slice %arg2[%multiple_of3A_55, %dma_start3A_58] : memref<16384x256xf32, #tpu.memory_space<hbm>> -> memref<64x256xf32, #tpu.memory_space<hbm>>
    tpu.enqueue_dma source(%dma_start3A_59 : memref<64x256xf32, #tpu.memory_space<hbm>>) target(%arg9 : memref<64x256xf32, #tpu.memory_space<vmem>>) target_semaphore(%arg27 : memref<!tpu.dma_semaphore, #tpu.memory_space<semaphore_mem>>)
    %add3A_60 = arith.constant 192 : i32
    %add3A_61 = arith.addi %add3A_35, %add3A_60 : i32
    %multiple_of3A_62 = tpu.assume_multiple %add3A_61, 8 : i32
    %dma_start3A_63 = arith.constant 0 : i32
    %dma_start3A_64 = tpu.memref_slice %arg2[%multiple_of3A_62, %dma_start3A_63] : memref<16384x256xf32, #tpu.memory_space<hbm>> -> memref<64x256xf32, #tpu.memory_space<hbm>>
    %dma_start3A_65 = arith.constant 0 : i32
    %dma_start3A_66 = tpu.memref_slice %arg2[%multiple_of3A_62, %dma_start3A_65] : memref<16384x256xf32, #tpu.memory_space<hbm>> -> memref<64x256xf32, #tpu.memory_space<hbm>>
    tpu.enqueue_dma source(%dma_start3A_66 : memref<64x256xf32, #tpu.memory_space<hbm>>) target(%arg10 : memref<64x256xf32, #tpu.memory_space<vmem>>) target_semaphore(%arg28 : memref<!tpu.dma_semaphore, #tpu.memory_space<semaphore_mem>>)
    %add3A_67 = arith.constant 256 : i32
    %add3A_68 = arith.addi %add3A_35, %add3A_67 : i32
    %multiple_of3A_69 = tpu.assume_multiple %add3A_68, 8 : i32
    %dma_start3A_70 = arith.constant 0 : i32
    %dma_start3A_71 = tpu.memref_slice %arg2[%multiple_of3A_69, %dma_start3A_70] : memref<16384x256xf32, #tpu.memory_space<hbm>> -> memref<64x256xf32, #tpu.memory_space<hbm>>
    %dma_start3A_72 = arith.constant 0 : i32
    %dma_start3A_73 = tpu.memref_slice %arg2[%multiple_of3A_69, %dma_start3A_72] : memref<16384x256xf32, #tpu.memory_space<hbm>> -> memref<64x256xf32, #tpu.memory_space<hbm>>
    tpu.enqueue_dma source(%dma_start3A_73 : memref<64x256xf32, #tpu.memory_space<hbm>>) target(%arg11 : memref<64x256xf32, #tpu.memory_space<vmem>>) target_semaphore(%arg29 : memref<!tpu.dma_semaphore, #tpu.memory_space<semaphore_mem>>)
    %add3A_74 = arith.constant 320 : i32
    %add3A_75 = arith.addi %add3A_35, %add3A_74 : i32
    %multiple_of3A_76 = tpu.assume_multiple %add3A_75, 8 : i32
    %dma_start3A_77 = arith.constant 0 : i32
    %dma_start3A_78 = tpu.memref_slice %arg2[%multiple_of3A_76, %dma_start3A_77] : memref<16384x256xf32, #tpu.memory_space<hbm>> -> memref<64x256xf32, #tpu.memory_space<hbm>>
    %dma_start3A_79 = arith.constant 0 : i32
    %dma_start3A_80 = tpu.memref_slice %arg2[%multiple_of3A_76, %dma_start3A_79] : memref<16384x256xf32, #tpu.memory_space<hbm>> -> memref<64x256xf32, #tpu.memory_space<hbm>>
    tpu.enqueue_dma source(%dma_start3A_80 : memref<64x256xf32, #tpu.memory_space<hbm>>) target(%arg12 : memref<64x256xf32, #tpu.memory_space<vmem>>) target_semaphore(%arg30 : memref<!tpu.dma_semaphore, #tpu.memory_space<semaphore_mem>>)
    %add3A_81 = arith.constant 384 : i32
    %add3A_82 = arith.addi %add3A_35, %add3A_81 : i32
    %multiple_of3A_83 = tpu.assume_multiple %add3A_82, 8 : i32
    %dma_start3A_84 = arith.constant 0 : i32
    %dma_start3A_85 = tpu.memref_slice %arg2[%multiple_of3A_83, %dma_start3A_84] : memref<16384x256xf32, #tpu.memory_space<hbm>> -> memref<64x256xf32, #tpu.memory_space<hbm>>
    %dma_start3A_86 = arith.constant 0 : i32
    %dma_start3A_87 = tpu.memref_slice %arg2[%multiple_of3A_83, %dma_start3A_86] : memref<16384x256xf32, #tpu.memory_space<hbm>> -> memref<64x256xf32, #tpu.memory_space<hbm>>
    tpu.enqueue_dma source(%dma_start3A_87 : memref<64x256xf32, #tpu.memory_space<hbm>>) target(%arg13 : memref<64x256xf32, #tpu.memory_space<vmem>>) target_semaphore(%arg31 : memref<!tpu.dma_semaphore, #tpu.memory_space<semaphore_mem>>)
    %dma_wait3A = arith.constant 0 : i32
    %dma_wait3A_88 = tpu.memref_slice %arg2[%multiple_of3A, %dma_wait3A] : memref<16384x256xf32, #tpu.memory_space<hbm>> -> memref<64x256xf32, #tpu.memory_space<hbm>>
    %dma_wait3A_89 = arith.constant 0 : i32
    %dma_wait3A_90 = tpu.memref_slice %arg2[%multiple_of3A, %dma_wait3A_89] : memref<16384x256xf32, #tpu.memory_space<hbm>> -> memref<64x256xf32, #tpu.memory_space<hbm>>
    tpu.wait_dma2 semaphore(%arg25 : memref<!tpu.dma_semaphore, #tpu.memory_space<semaphore_mem>>) src(%dma_wait3A_90 : memref<64x256xf32, #tpu.memory_space<hbm>>) dst(%arg7 : memref<64x256xf32, #tpu.memory_space<vmem>>)
    %add3A_91 = arith.constant 0 : i32
    %add3A_92 = arith.addi %add3A_40, %add3A_91 : i32
    %add3A_93 = arith.constant 0 : i32
    %add3A_94 = arith.addi %add3A_92, %add3A_93 : i32
    %iota3A = tpu.iota {dimensions = array<i32: 0>} : vector<16xi32>
    %add3A_95 = vector.broadcast %add3A_94 : i32 to vector<16xi32>
    %add3A_96 = arith.addi %add3A_95, %iota3A : vector<16xi32>
    %swap3A = arith.constant 0 : index
    %swap3A_97 = tpu.vector_load %arg14[%swap3A] {strides = array<i32>} : memref<64xi32, #tpu.memory_space<vmem>>, vector<16xi32>,
    %swap3A_98 = vector.shape_cast %swap3A_97 : vector<16xi32> to vector<16xi32>
    %swap3A_99 = vector.shape_cast %add3A_96 : vector<16xi32> to vector<16xi32>
    tpu.vector_store %arg14[%swap3A], %swap3A_99 {strides = array<i32>} : memref<64xi32, #tpu.memory_space<vmem>>, vector<16xi32>,
    %add3A_100 = arith.constant 16 : i32
    %add3A_101 = arith.addi %add3A_92, %add3A_100 : i32
    %iota3A_102 = tpu.iota {dimensions = array<i32: 0>} : vector<16xi32>
    %add3A_103 = vector.broadcast %add3A_101 : i32 to vector<16xi32>
    %add3A_104 = arith.addi %add3A_103, %iota3A_102 : vector<16xi32>
    %swap3A_105 = arith.constant 16 : index
    %swap3A_106 = tpu.vector_load %arg14[%swap3A_105] {strides = array<i32>} : memref<64xi32, #tpu.memory_space<vmem>>, vector<16xi32>,
    %swap3A_107 = vector.shape_cast %swap3A_106 : vector<16xi32> to vector<16xi32>
    %swap3A_108 = vector.shape_cast %add3A_104 : vector<16xi32> to vector<16xi32>
    tpu.vector_store %arg14[%swap3A_105], %swap3A_108 {strides = array<i32>} : memref<64xi32, #tpu.memory_space<vmem>>, vector<16xi32>,
    %add3A_109 = arith.constant 32 : i32
    %add3A_110 = arith.addi %add3A_92, %add3A_109 : i32
    %iota3A_111 = tpu.iota {dimensions = array<i32: 0>} : vector<16xi32>
    %add3A_112 = vector.broadcast %add3A_110 : i32 to vector<16xi32>
    %add3A_113 = arith.addi %add3A_112, %iota3A_111 : vector<16xi32>
    %swap3A_114 = arith.constant 32 : index
    %swap3A_115 = tpu.vector_load %arg14[%swap3A_114] {strides = array<i32>} : memref<64xi32, #tpu.memory_space<vmem>>, vector<16xi32>,
    %swap3A_116 = vector.shape_cast %swap3A_115 : vector<16xi32> to vector<16xi32>
    %swap3A_117 = vector.shape_cast %add3A_113 : vector<16xi32> to vector<16xi32>
    tpu.vector_store %arg14[%swap3A_114], %swap3A_117 {strides = array<i32>} : memref<64xi32, #tpu.memory_space<vmem>>, vector<16xi32>,
    %add3A_118 = arith.constant 48 : i32
    %add3A_119 = arith.addi %add3A_92, %add3A_118 : i32
    %iota3A_120 = tpu.iota {dimensions = array<i32: 0>} : vector<16xi32>
    %add3A_121 = vector.broadcast %add3A_119 : i32 to vector<16xi32>
    %add3A_122 = arith.addi %add3A_121, %iota3A_120 : vector<16xi32>
    %swap3A_123 = arith.constant 48 : index
    %swap3A_124 = tpu.vector_load %arg14[%swap3A_123] {strides = array<i32>} : memref<64xi32, #tpu.memory_space<vmem>>, vector<16xi32>,
    %swap3A_125 = vector.shape_cast %swap3A_124 : vector<16xi32> to vector<16xi32>
    %swap3A_126 = vector.shape_cast %add3A_122 : vector<16xi32> to vector<16xi32>
    tpu.vector_store %arg14[%swap3A_123], %swap3A_126 {strides = array<i32>} : memref<64xi32, #tpu.memory_space<vmem>>, vector<16xi32>,
    %dma_start3A_127 = arith.constant 0 : i32
    %dma_start3A_128 = arith.constant 0 : i32
    %dma_start3A_129 = tpu.memref_slice %arg5[%dma_start3A_127, %dma_start3A_128] : memref<16400x256xf32, #tpu.memory_space<hbm>> -> memref<16400x256xf32, #tpu.memory_space<hbm>>
    tpu.enqueue_indirect_dma source(%arg7 : memref<64x256xf32, #tpu.memory_space<vmem>>) target(%dma_start3A_129 : memref<16400x256xf32, #tpu.memory_space<hbm>>) offsets(%arg14 : memref<64xi32, #tpu.memory_space<vmem>>) semaphore(%arg32 : memref<!tpu.dma_semaphore, #tpu.memory_space<semaphore_mem>>)
    %dma_wait3A_130 = arith.constant 0 : i32
    %dma_wait3A_131 = arith.constant 0 : i32
    %dma_wait3A_132 = tpu.memref_slice %arg5[%dma_wait3A_130, %dma_wait3A_131] : memref<16400x256xf32, #tpu.memory_space<hbm>> -> memref<16400x256xf32, #tpu.memory_space<hbm>>
    tpu.wait_indirect_dma semaphore(%arg32 : memref<!tpu.dma_semaphore, #tpu.memory_space<semaphore_mem>>) src(%arg7 : memref<64x256xf32, #tpu.memory_space<vmem>>) dst(%dma_wait3A_132 : memref<16400x256xf32, #tpu.memory_space<hbm>>)
    %add3A_133 = arith.constant 448 : i32
    %add3A_134 = arith.addi %add3A_35, %add3A_133 : i32
    %multiple_of3A_135 = tpu.assume_multiple %add3A_134, 8 : i32
    %dma_start3A_136 = arith.constant 0 : i32
    %dma_start3A_137 = tpu.memref_slice %arg2[%multiple_of3A_135, %dma_start3A_136] : memref<16384x256xf32, #tpu.memory_space<hbm>> -> memref<64x256xf32, #tpu.memory_space<hbm>>
    %dma_start3A_138 = arith.constant 0 : i32
    %dma_start3A_139 = tpu.memref_slice %arg2[%multiple_of3A_135, %dma_start3A_138] : memref<16384x256xf32, #tpu.memory_space<hbm>> -> memref<64x256xf32, #tpu.memory_space<hbm>>
    tpu.enqueue_dma source(%dma_start3A_139 : memref<64x256xf32, #tpu.memory_space<hbm>>) target(%arg7 : memref<64x256xf32, #tpu.memory_space<vmem>>) target_semaphore(%arg25 : memref<!tpu.dma_semaphore, #tpu.memory_space<semaphore_mem>>)
    %dma_wait3A_140 = arith.constant 0 : i32
    %dma_wait3A_141 = tpu.memref_slice %arg2[%multiple_of3A_48, %dma_wait3A_140] : memref<16384x256xf32, #tpu.memory_space<hbm>> -> memref<64x256xf32, #tpu.memory_space<hbm>>
    %dma_wait3A_142 = arith.constant 0 : i32
    %dma_wait3A_143 = tpu.memref_slice %arg2[%multiple_of3A_48, %dma_wait3A_142] : memref<16384x256xf32, #tpu.memory_space<hbm>> -> memref<64x256xf32, #tpu.memory_space<hbm>>
    tpu.wait_dma2 semaphore(%arg26 : memref<!tpu.dma_semaphore, #tpu.memory_space<semaphore_mem>>) src(%dma_wait3A_143 : memref<64x256xf32, #tpu.memory_space<hbm>>) dst(%arg8 : memref<64x256xf32, #tpu.memory_space<vmem>>)
    %add3A_144 = arith.constant 64 : i32
    %add3A_145 = arith.addi %add3A_40, %add3A_144 : i32
    %add3A_146 = arith.constant 0 : i32
    %add3A_147 = arith.addi %add3A_145, %add3A_146 : i32
    %iota3A_148 = tpu.iota {dimensions = array<i32: 0>} : vector<16xi32>
    %add3A_149 = vector.broadcast %add3A_147 : i32 to vector<16xi32>
    %add3A_150 = arith.addi %add3A_149, %iota3A_148 : vector<16xi32>
    %swap3A_151 = arith.constant 0 : index
    %swap3A_152 = tpu.vector_load %arg15[%swap3A_151] {strides = array<i32>} : memref<64xi32, #tpu.memory_space<vmem>>, vector<16xi32>,
    %swap3A_153 = vector.shape_cast %swap3A_152 : vector<16xi32> to vector<16xi32>
    %swap3A_154 = vector.shape_cast %add3A_150 : vector<16xi32> to vector<16xi32>
    tpu.vector_store %arg15[%swap3A_151], %swap3A_154 {strides = array<i32>} : memref<64xi32, #tpu.memory_space<vmem>>, vector<16xi32>,
    %add3A_155 = arith.constant 16 : i32
    %add3A_156 = arith.addi %add3A_145, %add3A_155 : i32
    %iota3A_157 = tpu.iota {dimensions = array<i32: 0>} : vector<16xi32>
    %add3A_158 = vector.broadcast %add3A_156 : i32 to vector<16xi32>
    %add3A_159 = arith.addi %add3A_158, %iota3A_157 : vector<16xi32>
    %swap3A_160 = arith.constant 16 : index
    %swap3A_161 = tpu.vector_load %arg15[%swap3A_160] {strides = array<i32>} : memref<64xi32, #tpu.memory_space<vmem>>, vector<16xi32>,
    %swap3A_162 = vector.shape_cast %swap3A_161 : vector<16xi32> to vector<16xi32>
    %swap3A_163 = vector.shape_cast %add3A_159 : vector<16xi32> to vector<16xi32>
    tpu.vector_store %arg15[%swap3A_160], %swap3A_163 {strides = array<i32>} : memref<64xi32, #tpu.memory_space<vmem>>, vector<16xi32>,
    %add3A_164 = arith.constant 32 : i32
    %add3A_165 = arith.addi %add3A_145, %add3A_164 : i32
    %iota3A_166 = tpu.iota {dimensions = array<i32: 0>} : vector<16xi32>
    %add3A_167 = vector.broadcast %add3A_165 : i32 to vector<16xi32>
    %add3A_168 = arith.addi %add3A_167, %iota3A_166 : vector<16xi32>
    %swap3A_169 = arith.constant 32 : index
    %swap3A_170 = tpu.vector_load %arg15[%swap3A_169] {strides = array<i32>} : memref<64xi32, #tpu.memory_space<vmem>>, vector<16xi32>,
    %swap3A_171 = vector.shape_cast %swap3A_170 : vector<16xi32> to vector<16xi32>
    %swap3A_172 = vector.shape_cast %add3A_168 : vector<16xi32> to vector<16xi32>
    tpu.vector_store %arg15[%swap3A_169], %swap3A_172 {strides = array<i32>} : memref<64xi32, #tpu.memory_space<vmem>>, vector<16xi32>,
    %add3A_173 = arith.constant 48 : i32
    %add3A_174 = arith.addi %add3A_145, %add3A_173 : i32
    %iota3A_175 = tpu.iota {dimensions = array<i32: 0>} : vector<16xi32>
    %add3A_176 = vector.broadcast %add3A_174 : i32 to vector<16xi32>
    %add3A_177 = arith.addi %add3A_176, %iota3A_175 : vector<16xi32>
    %swap3A_178 = arith.constant 48 : index
    %swap3A_179 = tpu.vector_load %arg15[%swap3A_178] {strides = array<i32>} : memref<64xi32, #tpu.memory_space<vmem>>, vector<16xi32>,
    %swap3A_180 = vector.shape_cast %swap3A_179 : vector<16xi32> to vector<16xi32>
    %swap3A_181 = vector.shape_cast %add3A_177 : vector<16xi32> to vector<16xi32>
    tpu.vector_store %arg15[%swap3A_178], %swap3A_181 {strides = array<i32>} : memref<64xi32, #tpu.memory_space<vmem>>, vector<16xi32>,
    %dma_start3A_182 = arith.constant 0 : i32
    %dma_start3A_183 = arith.constant 0 : i32
    %dma_start3A_184 = tpu.memref_slice %arg5[%dma_start3A_182, %dma_start3A_183] : memref<16400x256xf32, #tpu.memory_space<hbm>> -> memref<16400x256xf32, #tpu.memory_space<hbm>>
    tpu.enqueue_indirect_dma source(%arg8 : memref<64x256xf32, #tpu.memory_space<vmem>>) target(%dma_start3A_184 : memref<16400x256xf32, #tpu.memory_space<hbm>>) offsets(%arg15 : memref<64xi32, #tpu.memory_space<vmem>>) semaphore(%arg33 : memref<!tpu.dma_semaphore, #tpu.memory_space<semaphore_mem>>)
    %dma_wait3A_185 = arith.constant 0 : i32
    %dma_wait3A_186 = tpu.memref_slice %arg2[%multiple_of3A_55, %dma_wait3A_185] : memref<16384x256xf32, #tpu.memory_space<hbm>> -> memref<64x256xf32, #tpu.memory_space<hbm>>
    %dma_wait3A_187 = arith.constant 0 : i32
    %dma_wait3A_188 = tpu.memref_slice %arg2[%multiple_of3A_55, %dma_wait3A_187] : memref<16384x256xf32, #tpu.memory_space<hbm>> -> memref<64x256xf32, #tpu.memory_space<hbm>>
    tpu.wait_dma2 semaphore(%arg27 : memref<!tpu.dma_semaphore, #tpu.memory_space<semaphore_mem>>) src(%dma_wait3A_188 : memref<64x256xf32, #tpu.memory_space<hbm>>) dst(%arg9 : memref<64x256xf32, #tpu.memory_space<vmem>>)
    %add3A_189 = arith.constant 128 : i32
    %add3A_190 = arith.addi %add3A_40, %add3A_189 : i32
    %add3A_191 = arith.constant 0 : i32
    %add3A_192 = arith.addi %add3A_190, %add3A_191 : i32
    %iota3A_193 = tpu.iota {dimensions = array<i32: 0>} : vector<16xi32>
    %add3A_194 = vector.broadcast %add3A_192 : i32 to vector<16xi32>
    %add3A_195 = arith.addi %add3A_194, %iota3A_193 : vector<16xi32>
    %swap3A_196 = arith.constant 0 : index
    %swap3A_197 = tpu.vector_load %arg16[%swap3A_196] {strides = array<i32>} : memref<64xi32, #tpu.memory_space<vmem>>, vector<16xi32>,
    %swap3A_198 = vector.shape_cast %swap3A_197 : vector<16xi32> to vector<16xi32>
    %swap3A_199 = vector.shape_cast %add3A_195 : vector<16xi32> to vector<16xi32>
    tpu.vector_store %arg16[%swap3A_196], %swap3A_199 {strides = array<i32>} : memref<64xi32, #tpu.memory_space<vmem>>, vector<16xi32>,
    %add3A_200 = arith.constant 16 : i32
    %add3A_201 = arith.addi %add3A_190, %add3A_200 : i32
    %iota3A_202 = tpu.iota {dimensions = array<i32: 0>} : vector<16xi32>
    %add3A_203 = vector.broadcast %add3A_201 : i32 to vector<16xi32>
    %add3A_204 = arith.addi %add3A_203, %iota3A_202 : vector<16xi32>
    %swap3A_205 = arith.constant 16 : index
    %swap3A_206 = tpu.vector_load %arg16[%swap3A_205] {strides = array<i32>} : memref<64xi32, #tpu.memory_space<vmem>>, vector<16xi32>,
    %swap3A_207 = vector.shape_cast %swap3A_206 : vector<16xi32> to vector<16xi32>
    %swap3A_208 = vector.shape_cast %add3A_204 : vector<16xi32> to vector<16xi32>
    tpu.vector_store %arg16[%swap3A_205], %swap3A_208 {strides = array<i32>} : memref<64xi32, #tpu.memory_space<vmem>>, vector<16xi32>,
    %add3A_209 = arith.constant 32 : i32
    %add3A_210 = arith.addi %add3A_190, %add3A_209 : i32
    %iota3A_211 = tpu.iota {dimensions = array<i32: 0>} : vector<16xi32>
    %add3A_212 = vector.broadcast %add3A_210 : i32 to vector<16xi32>
    %add3A_213 = arith.addi %add3A_212, %iota3A_211 : vector<16xi32>
    %swap3A_214 = arith.constant 32 : index
    %swap3A_215 = tpu.vector_load %arg16[%swap3A_214] {strides = array<i32>} : memref<64xi32, #tpu.memory_space<vmem>>, vector<16xi32>,
    %swap3A_216 = vector.shape_cast %swap3A_215 : vector<16xi32> to vector<16xi32>
    %swap3A_217 = vector.shape_cast %add3A_213 : vector<16xi32> to vector<16xi32>
    tpu.vector_store %arg16[%swap3A_214], %swap3A_217 {strides = array<i32>} : memref<64xi32, #tpu.memory_space<vmem>>, vector<16xi32>,
    %add3A_218 = arith.constant 48 : i32
    %add3A_219 = arith.addi %add3A_190, %add3A_218 : i32
    %iota3A_220 = tpu.iota {dimensions = array<i32: 0>} : vector<16xi32>
    %add3A_221 = vector.broadcast %add3A_219 : i32 to vector<16xi32>
    %add3A_222 = arith.addi %add3A_221, %iota3A_220 : vector<16xi32>
    %swap3A_223 = arith.constant 48 : index
    %swap3A_224 = tpu.vector_load %arg16[%swap3A_223] {strides = array<i32>} : memref<64xi32, #tpu.memory_space<vmem>>, vector<16xi32>,
    %swap3A_225 = vector.shape_cast %swap3A_224 : vector<16xi32> to vector<16xi32>
    %swap3A_226 = vector.shape_cast %add3A_222 : vector<16xi32> to vector<16xi32>
    tpu.vector_store %arg16[%swap3A_223], %swap3A_226 {strides = array<i32>} : memref<64xi32, #tpu.memory_space<vmem>>, vector<16xi32>,
    %dma_start3A_227 = arith.constant 0 : i32
    %dma_start3A_228 = arith.constant 0 : i32
    %dma_start3A_229 = tpu.memref_slice %arg5[%dma_start3A_227, %dma_start3A_228] : memref<16400x256xf32, #tpu.memory_space<hbm>> -> memref<16400x256xf32, #tpu.memory_space<hbm>>
    tpu.enqueue_indirect_dma source(%arg9 : memref<64x256xf32, #tpu.memory_space<vmem>>) target(%dma_start3A_229 : memref<16400x256xf32, #tpu.memory_space<hbm>>) offsets(%arg16 : memref<64xi32, #tpu.memory_space<vmem>>) semaphore(%arg34 : memref<!tpu.dma_semaphore, #tpu.memory_space<semaphore_mem>>)
    %dma_wait3A_230 = arith.constant 0 : i32
    %dma_wait3A_231 = tpu.memref_slice %arg2[%multiple_of3A_62, %dma_wait3A_230] : memref<16384x256xf32, #tpu.memory_space<hbm>> -> memref<64x256xf32, #tpu.memory_space<hbm>>
    %dma_wait3A_232 = arith.constant 0 : i32
    %dma_wait3A_233 = tpu.memref_slice %arg2[%multiple_of3A_62, %dma_wait3A_232] : memref<16384x256xf32, #tpu.memory_space<hbm>> -> memref<64x256xf32, #tpu.memory_space<hbm>>
    tpu.wait_dma2 semaphore(%arg28 : memref<!tpu.dma_semaphore, #tpu.memory_space<semaphore_mem>>) src(%dma_wait3A_233 : memref<64x256xf32, #tpu.memory_space<hbm>>) dst(%arg10 : memref<64x256xf32, #tpu.memory_space<vmem>>)
    %add3A_234 = arith.constant 192 : i32
    %add3A_235 = arith.addi %add3A_40, %add3A_234 : i32
    %add3A_236 = arith.constant 0 : i32
    %add3A_237 = arith.addi %add3A_235, %add3A_236 : i32
    %iota3A_238 = tpu.iota {dimensions = array<i32: 0>} : vector<16xi32>
    %add3A_239 = vector.broadcast %add3A_237 : i32 to vector<16xi32>
    %add3A_240 = arith.addi %add3A_239, %iota3A_238 : vector<16xi32>
    %swap3A_241 = arith.constant 0 : index
    %swap3A_242 = tpu.vector_load %arg17[%swap3A_241] {strides = array<i32>} : memref<64xi32, #tpu.memory_space<vmem>>, vector<16xi32>,
    %swap3A_243 = vector.shape_cast %swap3A_242 : vector<16xi32> to vector<16xi32>
    %swap3A_244 = vector.shape_cast %add3A_240 : vector<16xi32> to vector<16xi32>
    tpu.vector_store %arg17[%swap3A_241], %swap3A_244 {strides = array<i32>} : memref<64xi32, #tpu.memory_space<vmem>>, vector<16xi32>,
    %add3A_245 = arith.constant 16 : i32
    %add3A_246 = arith.addi %add3A_235, %add3A_245 : i32
    %iota3A_247 = tpu.iota {dimensions = array<i32: 0>} : vector<16xi32>
    %add3A_248 = vector.broadcast %add3A_246 : i32 to vector<16xi32>
    %add3A_249 = arith.addi %add3A_248, %iota3A_247 : vector<16xi32>
    %swap3A_250 = arith.constant 16 : index
    %swap3A_251 = tpu.vector_load %arg17[%swap3A_250] {strides = array<i32>} : memref<64xi32, #tpu.memory_space<vmem>>, vector<16xi32>,
    %swap3A_252 = vector.shape_cast %swap3A_251 : vector<16xi32> to vector<16xi32>
    %swap3A_253 = vector.shape_cast %add3A_249 : vector<16xi32> to vector<16xi32>
    tpu.vector_store %arg17[%swap3A_250], %swap3A_253 {strides = array<i32>} : memref<64xi32, #tpu.memory_space<vmem>>, vector<16xi32>,
    %add3A_254 = arith.constant 32 : i32
    %add3A_255 = arith.addi %add3A_235, %add3A_254 : i32
    %iota3A_256 = tpu.iota {dimensions = array<i32: 0>} : vector<16xi32>
    %add3A_257 = vector.broadcast %add3A_255 : i32 to vector<16xi32>
    %add3A_258 = arith.addi %add3A_257, %iota3A_256 : vector<16xi32>
    %swap3A_259 = arith.constant 32 : index
    %swap3A_260 = tpu.vector_load %arg17[%swap3A_259] {strides = array<i32>} : memref<64xi32, #tpu.memory_space<vmem>>, vector<16xi32>,
    %swap3A_261 = vector.shape_cast %swap3A_260 : vector<16xi32> to vector<16xi32>
    %swap3A_262 = vector.shape_cast %add3A_258 : vector<16xi32> to vector<16xi32>
    tpu.vector_store %arg17[%swap3A_259], %swap3A_262 {strides = array<i32>} : memref<64xi32, #tpu.memory_space<vmem>>, vector<16xi32>,
    %add3A_263 = arith.constant 48 : i32
    %add3A_264 = arith.addi %add3A_235, %add3A_263 : i32
    %iota3A_265 = tpu.iota {dimensions = array<i32: 0>} : vector<16xi32>
    %add3A_266 = vector.broadcast %add3A_264 : i32 to vector<16xi32>
    %add3A_267 = arith.addi %add3A_266, %iota3A_265 : vector<16xi32>
    %swap3A_268 = arith.constant 48 : index
    %swap3A_269 = tpu.vector_load %arg17[%swap3A_268] {strides = array<i32>} : memref<64xi32, #tpu.memory_space<vmem>>, vector<16xi32>,
    %swap3A_270 = vector.shape_cast %swap3A_269 : vector<16xi32> to vector<16xi32>
    %swap3A_271 = vector.shape_cast %add3A_267 : vector<16xi32> to vector<16xi32>
    tpu.vector_store %arg17[%swap3A_268], %swap3A_271 {strides = array<i32>} : memref<64xi32, #tpu.memory_space<vmem>>, vector<16xi32>,
    %dma_start3A_272 = arith.constant 0 : i32
    %dma_start3A_273 = arith.constant 0 : i32
    %dma_start3A_274 = tpu.memref_slice %arg5[%dma_start3A_272, %dma_start3A_273] : memref<16400x256xf32, #tpu.memory_space<hbm>> -> memref<16400x256xf32, #tpu.memory_space<hbm>>
    tpu.enqueue_indirect_dma source(%arg10 : memref<64x256xf32, #tpu.memory_space<vmem>>) target(%dma_start3A_274 : memref<16400x256xf32, #tpu.memory_space<hbm>>) offsets(%arg17 : memref<64xi32, #tpu.memory_space<vmem>>) semaphore(%arg35 : memref<!tpu.dma_semaphore, #tpu.memory_space<semaphore_mem>>)
    %dma_wait3A_275 = arith.constant 0 : i32
    %dma_wait3A_276 = tpu.memref_slice %arg2[%multiple_of3A_69, %dma_wait3A_275] : memref<16384x256xf32, #tpu.memory_space<hbm>> -> memref<64x256xf32, #tpu.memory_space<hbm>>
    %dma_wait3A_277 = arith.constant 0 : i32
    %dma_wait3A_278 = tpu.memref_slice %arg2[%multiple_of3A_69, %dma_wait3A_277] : memref<16384x256xf32, #tpu.memory_space<hbm>> -> memref<64x256xf32, #tpu.memory_space<hbm>>
    tpu.wait_dma2 semaphore(%arg29 : memref<!tpu.dma_semaphore, #tpu.memory_space<semaphore_mem>>) src(%dma_wait3A_278 : memref<64x256xf32, #tpu.memory_space<hbm>>) dst(%arg11 : memref<64x256xf32, #tpu.memory_space<vmem>>)
    %add3A_279 = arith.constant 256 : i32
    %add3A_280 = arith.addi %add3A_40, %add3A_279 : i32
    %add3A_281 = arith.constant 0 : i32
    %add3A_282 = arith.addi %add3A_280, %add3A_281 : i32
    %iota3A_283 = tpu.iota {dimensions = array<i32: 0>} : vector<16xi32>
    %add3A_284 = vector.broadcast %add3A_282 : i32 to vector<16xi32>
    %add3A_285 = arith.addi %add3A_284, %iota3A_283 : vector<16xi32>
    %swap3A_286 = arith.constant 0 : index
    %swap3A_287 = tpu.vector_load %arg18[%swap3A_286] {strides = array<i32>} : memref<64xi32, #tpu.memory_space<vmem>>, vector<16xi32>,
    %swap3A_288 = vector.shape_cast %swap3A_287 : vector<16xi32> to vector<16xi32>
    %swap3A_289 = vector.shape_cast %add3A_285 : vector<16xi32> to vector<16xi32>
    tpu.vector_store %arg18[%swap3A_286], %swap3A_289 {strides = array<i32>} : memref<64xi32, #tpu.memory_space<vmem>>, vector<16xi32>,
    %add3A_290 = arith.constant 16 : i32
    %add3A_291 = arith.addi %add3A_280, %add3A_290 : i32
    %iota3A_292 = tpu.iota {dimensions = array<i32: 0>} : vector<16xi32>
    %add3A_293 = vector.broadcast %add3A_291 : i32 to vector<16xi32>
    %add3A_294 = arith.addi %add3A_293, %iota3A_292 : vector<16xi32>
    %swap3A_295 = arith.constant 16 : index
    %swap3A_296 = tpu.vector_load %arg18[%swap3A_295] {strides = array<i32>} : memref<64xi32, #tpu.memory_space<vmem>>, vector<16xi32>,
    %swap3A_297 = vector.shape_cast %swap3A_296 : vector<16xi32> to vector<16xi32>
    %swap3A_298 = vector.shape_cast %add3A_294 : vector<16xi32> to vector<16xi32>
    tpu.vector_store %arg18[%swap3A_295], %swap3A_298 {strides = array<i32>} : memref<64xi32, #tpu.memory_space<vmem>>, vector<16xi32>,
    %add3A_299 = arith.constant 32 : i32
    %add3A_300 = arith.addi %add3A_280, %add3A_299 : i32
    %iota3A_301 = tpu.iota {dimensions = array<i32: 0>} : vector<16xi32>
    %add3A_302 = vector.broadcast %add3A_300 : i32 to vector<16xi32>
    %add3A_303 = arith.addi %add3A_302, %iota3A_301 : vector<16xi32>
    %swap3A_304 = arith.constant 32 : index
    %swap3A_305 = tpu.vector_load %arg18[%swap3A_304] {strides = array<i32>} : memref<64xi32, #tpu.memory_space<vmem>>, vector<16xi32>,
    %swap3A_306 = vector.shape_cast %swap3A_305 : vector<16xi32> to vector<16xi32>
    %swap3A_307 = vector.shape_cast %add3A_303 : vector<16xi32> to vector<16xi32>
    tpu.vector_store %arg18[%swap3A_304], %swap3A_307 {strides = array<i32>} : memref<64xi32, #tpu.memory_space<vmem>>, vector<16xi32>,
    %add3A_308 = arith.constant 48 : i32
    %add3A_309 = arith.addi %add3A_280, %add3A_308 : i32
    %iota3A_310 = tpu.iota {dimensions = array<i32: 0>} : vector<16xi32>
    %add3A_311 = vector.broadcast %add3A_309 : i32 to vector<16xi32>
    %add3A_312 = arith.addi %add3A_311, %iota3A_310 : vector<16xi32>
    %swap3A_313 = arith.constant 48 : index
    %swap3A_314 = tpu.vector_load %arg18[%swap3A_313] {strides = array<i32>} : memref<64xi32, #tpu.memory_space<vmem>>, vector<16xi32>,
    %swap3A_315 = vector.shape_cast %swap3A_314 : vector<16xi32> to vector<16xi32>
    %swap3A_316 = vector.shape_cast %add3A_312 : vector<16xi32> to vector<16xi32>
    tpu.vector_store %arg18[%swap3A_313], %swap3A_316 {strides = array<i32>} : memref<64xi32, #tpu.memory_space<vmem>>, vector<16xi32>,
    %dma_start3A_317 = arith.constant 0 : i32
    %dma_start3A_318 = arith.constant 0 : i32
    %dma_start3A_319 = tpu.memref_slice %arg5[%dma_start3A_317, %dma_start3A_318] : memref<16400x256xf32, #tpu.memory_space<hbm>> -> memref<16400x256xf32, #tpu.memory_space<hbm>>
    tpu.enqueue_indirect_dma source(%arg11 : memref<64x256xf32, #tpu.memory_space<vmem>>) target(%dma_start3A_319 : memref<16400x256xf32, #tpu.memory_space<hbm>>) offsets(%arg18 : memref<64xi32, #tpu.memory_space<vmem>>) semaphore(%arg36 : memref<!tpu.dma_semaphore, #tpu.memory_space<semaphore_mem>>)
    %dma_wait3A_320 = arith.constant 0 : i32
    %dma_wait3A_321 = tpu.memref_slice %arg2[%multiple_of3A_76, %dma_wait3A_320] : memref<16384x256xf32, #tpu.memory_space<hbm>> -> memref<64x256xf32, #tpu.memory_space<hbm>>
    %dma_wait3A_322 = arith.constant 0 : i32
    %dma_wait3A_323 = tpu.memref_slice %arg2[%multiple_of3A_76, %dma_wait3A_322] : memref<16384x256xf32, #tpu.memory_space<hbm>> -> memref<64x256xf32, #tpu.memory_space<hbm>>
    tpu.wait_dma2 semaphore(%arg30 : memref<!tpu.dma_semaphore, #tpu.memory_space<semaphore_mem>>) src(%dma_wait3A_323 : memref<64x256xf32, #tpu.memory_space<hbm>>) dst(%arg12 : memref<64x256xf32, #tpu.memory_space<vmem>>)
    %add3A_324 = arith.constant 320 : i32
    %add3A_325 = arith.addi %add3A_40, %add3A_324 : i32
    %add3A_326 = arith.constant 0 : i32
    %add3A_327 = arith.addi %add3A_325, %add3A_326 : i32
    %iota3A_328 = tpu.iota {dimensions = array<i32: 0>} : vector<16xi32>
    %add3A_329 = vector.broadcast %add3A_327 : i32 to vector<16xi32>
    %add3A_330 = arith.addi %add3A_329, %iota3A_328 : vector<16xi32>
    %swap3A_331 = arith.constant 0 : index
    %swap3A_332 = tpu.vector_load %arg19[%swap3A_331] {strides = array<i32>} : memref<64xi32, #tpu.memory_space<vmem>>, vector<16xi32>,
    %swap3A_333 = vector.shape_cast %swap3A_332 : vector<16xi32> to vector<16xi32>
    %swap3A_334 = vector.shape_cast %add3A_330 : vector<16xi32> to vector<16xi32>
    tpu.vector_store %arg19[%swap3A_331], %swap3A_334 {strides = array<i32>} : memref<64xi32, #tpu.memory_space<vmem>>, vector<16xi32>,
    %add3A_335 = arith.constant 16 : i32
    %add3A_336 = arith.addi %add3A_325, %add3A_335 : i32
    %iota3A_337 = tpu.iota {dimensions = array<i32: 0>} : vector<16xi32>
    %add3A_338 = vector.broadcast %add3A_336 : i32 to vector<16xi32>
    %add3A_339 = arith.addi %add3A_338, %iota3A_337 : vector<16xi32>
    %swap3A_340 = arith.constant 16 : index
    %swap3A_341 = tpu.vector_load %arg19[%swap3A_340] {strides = array<i32>} : memref<64xi32, #tpu.memory_space<vmem>>, vector<16xi32>,
    %swap3A_342 = vector.shape_cast %swap3A_341 : vector<16xi32> to vector<16xi32>
    %swap3A_343 = vector.shape_cast %add3A_339 : vector<16xi32> to vector<16xi32>
    tpu.vector_store %arg19[%swap3A_340], %swap3A_343 {strides = array<i32>} : memref<64xi32, #tpu.memory_space<vmem>>, vector<16xi32>,
    %add3A_344 = arith.constant 32 : i32
    %add3A_345 = arith.addi %add3A_325, %add3A_344 : i32
    %iota3A_346 = tpu.iota {dimensions = array<i32: 0>} : vector<16xi32>
    %add3A_347 = vector.broadcast %add3A_345 : i32 to vector<16xi32>
    %add3A_348 = arith.addi %add3A_347, %iota3A_346 : vector<16xi32>
    %swap3A_349 = arith.constant 32 : index
    %swap3A_350 = tpu.vector_load %arg19[%swap3A_349] {strides = array<i32>} : memref<64xi32, #tpu.memory_space<vmem>>, vector<16xi32>,
    %swap3A_351 = vector.shape_cast %swap3A_350 : vector<16xi32> to vector<16xi32>
    %swap3A_352 = vector.shape_cast %add3A_348 : vector<16xi32> to vector<16xi32>
    tpu.vector_store %arg19[%swap3A_349], %swap3A_352 {strides = array<i32>} : memref<64xi32, #tpu.memory_space<vmem>>, vector<16xi32>,
    %add3A_353 = arith.constant 48 : i32
    %add3A_354 = arith.addi %add3A_325, %add3A_353 : i32
    %iota3A_355 = tpu.iota {dimensions = array<i32: 0>} : vector<16xi32>
    %add3A_356 = vector.broadcast %add3A_354 : i32 to vector<16xi32>
    %add3A_357 = arith.addi %add3A_356, %iota3A_355 : vector<16xi32>
    %swap3A_358 = arith.constant 48 : index
    %swap3A_359 = tpu.vector_load %arg19[%swap3A_358] {strides = array<i32>} : memref<64xi32, #tpu.memory_space<vmem>>, vector<16xi32>,
    %swap3A_360 = vector.shape_cast %swap3A_359 : vector<16xi32> to vector<16xi32>
    %swap3A_361 = vector.shape_cast %add3A_357 : vector<16xi32> to vector<16xi32>
    tpu.vector_store %arg19[%swap3A_358], %swap3A_361 {strides = array<i32>} : memref<64xi32, #tpu.memory_space<vmem>>, vector<16xi32>,
    %dma_start3A_362 = arith.constant 0 : i32
    %dma_start3A_363 = arith.constant 0 : i32
    %dma_start3A_364 = tpu.memref_slice %arg5[%dma_start3A_362, %dma_start3A_363] : memref<16400x256xf32, #tpu.memory_space<hbm>> -> memref<16400x256xf32, #tpu.memory_space<hbm>>
    tpu.enqueue_indirect_dma source(%arg12 : memref<64x256xf32, #tpu.memory_space<vmem>>) target(%dma_start3A_364 : memref<16400x256xf32, #tpu.memory_space<hbm>>) offsets(%arg19 : memref<64xi32, #tpu.memory_space<vmem>>) semaphore(%arg37 : memref<!tpu.dma_semaphore, #tpu.memory_space<semaphore_mem>>)
    %dma_wait3A_365 = arith.constant 0 : i32
    %dma_wait3A_366 = tpu.memref_slice %arg2[%multiple_of3A_83, %dma_wait3A_365] : memref<16384x256xf32, #tpu.memory_space<hbm>> -> memref<64x256xf32, #tpu.memory_space<hbm>>
    %dma_wait3A_367 = arith.constant 0 : i32
    %dma_wait3A_368 = tpu.memref_slice %arg2[%multiple_of3A_83, %dma_wait3A_367] : memref<16384x256xf32, #tpu.memory_space<hbm>> -> memref<64x256xf32, #tpu.memory_space<hbm>>
    tpu.wait_dma2 semaphore(%arg31 : memref<!tpu.dma_semaphore, #tpu.memory_space<semaphore_mem>>) src(%dma_wait3A_368 : memref<64x256xf32, #tpu.memory_space<hbm>>) dst(%arg13 : memref<64x256xf32, #tpu.memory_space<vmem>>)
    %add3A_369 = arith.constant 384 : i32
    %add3A_370 = arith.addi %add3A_40, %add3A_369 : i32
    %add3A_371 = arith.constant 0 : i32
    %add3A_372 = arith.addi %add3A_370, %add3A_371 : i32
    %iota3A_373 = tpu.iota {dimensions = array<i32: 0>} : vector<16xi32>
    %add3A_374 = vector.broadcast %add3A_372 : i32 to vector<16xi32>
    %add3A_375 = arith.addi %add3A_374, %iota3A_373 : vector<16xi32>
    %swap3A_376 = arith.constant 0 : index
    %swap3A_377 = tpu.vector_load %arg20[%swap3A_376] {strides = array<i32>} : memref<64xi32, #tpu.memory_space<vmem>>, vector<16xi32>,
    %swap3A_378 = vector.shape_cast %swap3A_377 : vector<16xi32> to vector<16xi32>
    %swap3A_379 = vector.shape_cast %add3A_375 : vector<16xi32> to vector<16xi32>
    tpu.vector_store %arg20[%swap3A_376], %swap3A_379 {strides = array<i32>} : memref<64xi32, #tpu.memory_space<vmem>>, vector<16xi32>,
    %add3A_380 = arith.constant 16 : i32
    %add3A_381 = arith.addi %add3A_370, %add3A_380 : i32
    %iota3A_382 = tpu.iota {dimensions = array<i32: 0>} : vector<16xi32>
    %add3A_383 = vector.broadcast %add3A_381 : i32 to vector<16xi32>
    %add3A_384 = arith.addi %add3A_383, %iota3A_382 : vector<16xi32>
    %swap3A_385 = arith.constant 16 : index
    %swap3A_386 = tpu.vector_load %arg20[%swap3A_385] {strides = array<i32>} : memref<64xi32, #tpu.memory_space<vmem>>, vector<16xi32>,
    %swap3A_387 = vector.shape_cast %swap3A_386 : vector<16xi32> to vector<16xi32>
    %swap3A_388 = vector.shape_cast %add3A_384 : vector<16xi32> to vector<16xi32>
    tpu.vector_store %arg20[%swap3A_385], %swap3A_388 {strides = array<i32>} : memref<64xi32, #tpu.memory_space<vmem>>, vector<16xi32>,
    %add3A_389 = arith.constant 32 : i32
    %add3A_390 = arith.addi %add3A_370, %add3A_389 : i32
    %iota3A_391 = tpu.iota {dimensions = array<i32: 0>} : vector<16xi32>
    %add3A_392 = vector.broadcast %add3A_390 : i32 to vector<16xi32>
    %add3A_393 = arith.addi %add3A_392, %iota3A_391 : vector<16xi32>
    %swap3A_394 = arith.constant 32 : index
    %swap3A_395 = tpu.vector_load %arg20[%swap3A_394] {strides = array<i32>} : memref<64xi32, #tpu.memory_space<vmem>>, vector<16xi32>,
    %swap3A_396 = vector.shape_cast %swap3A_395 : vector<16xi32> to vector<16xi32>
    %swap3A_397 = vector.shape_cast %add3A_393 : vector<16xi32> to vector<16xi32>
    tpu.vector_store %arg20[%swap3A_394], %swap3A_397 {strides = array<i32>} : memref<64xi32, #tpu.memory_space<vmem>>, vector<16xi32>,
    %add3A_398 = arith.constant 48 : i32
    %add3A_399 = arith.addi %add3A_370, %add3A_398 : i32
    %iota3A_400 = tpu.iota {dimensions = array<i32: 0>} : vector<16xi32>
    %add3A_401 = vector.broadcast %add3A_399 : i32 to vector<16xi32>
    %add3A_402 = arith.addi %add3A_401, %iota3A_400 : vector<16xi32>
    %swap3A_403 = arith.constant 48 : index
    %swap3A_404 = tpu.vector_load %arg20[%swap3A_403] {strides = array<i32>} : memref<64xi32, #tpu.memory_space<vmem>>, vector<16xi32>,
    %swap3A_405 = vector.shape_cast %swap3A_404 : vector<16xi32> to vector<16xi32>
    %swap3A_406 = vector.shape_cast %add3A_402 : vector<16xi32> to vector<16xi32>
    tpu.vector_store %arg20[%swap3A_403], %swap3A_406 {strides = array<i32>} : memref<64xi32, #tpu.memory_space<vmem>>, vector<16xi32>,
    %dma_start3A_407 = arith.constant 0 : i32
    %dma_start3A_408 = arith.constant 0 : i32
    %dma_start3A_409 = tpu.memref_slice %arg5[%dma_start3A_407, %dma_start3A_408] : memref<16400x256xf32, #tpu.memory_space<hbm>> -> memref<16400x256xf32, #tpu.memory_space<hbm>>
    tpu.enqueue_indirect_dma source(%arg13 : memref<64x256xf32, #tpu.memory_space<vmem>>) target(%dma_start3A_409 : memref<16400x256xf32, #tpu.memory_space<hbm>>) offsets(%arg20 : memref<64xi32, #tpu.memory_space<vmem>>) semaphore(%arg38 : memref<!tpu.dma_semaphore, #tpu.memory_space<semaphore_mem>>)
    %dma_wait3A_410 = arith.constant 0 : i32
    %dma_wait3A_411 = tpu.memref_slice %arg2[%multiple_of3A_135, %dma_wait3A_410] : memref<16384x256xf32, #tpu.memory_space<hbm>> -> memref<64x256xf32, #tpu.memory_space<hbm>>
    %dma_wait3A_412 = arith.constant 0 : i32
    %dma_wait3A_413 = tpu.memref_slice %arg2[%multiple_of3A_135, %dma_wait3A_412] : memref<16384x256xf32, #tpu.memory_space<hbm>> -> memref<64x256xf32, #tpu.memory_space<hbm>>
    tpu.wait_dma2 semaphore(%arg25 : memref<!tpu.dma_semaphore, #tpu.memory_space<semaphore_mem>>) src(%dma_wait3A_413 : memref<64x256xf32, #tpu.memory_space<hbm>>) dst(%arg7 : memref<64x256xf32, #tpu.memory_space<vmem>>)
    %add3A_414 = arith.constant 448 : i32
    %add3A_415 = arith.addi %add3A_40, %add3A_414 : i32
    %add3A_416 = arith.constant 0 : i32
    %add3A_417 = arith.addi %add3A_415, %add3A_416 : i32
    %iota3A_418 = tpu.iota {dimensions = array<i32: 0>} : vector<16xi32>
    %add3A_419 = vector.broadcast %add3A_417 : i32 to vector<16xi32>
    %add3A_420 = arith.addi %add3A_419, %iota3A_418 : vector<16xi32>
    %swap3A_421 = arith.constant 0 : index
    %swap3A_422 = tpu.vector_load %arg21[%swap3A_421] {strides = array<i32>} : memref<64xi32, #tpu.memory_space<vmem>>, vector<16xi32>,
    %swap3A_423 = vector.shape_cast %swap3A_422 : vector<16xi32> to vector<16xi32>
    %swap3A_424 = vector.shape_cast %add3A_420 : vector<16xi32> to vector<16xi32>
    tpu.vector_store %arg21[%swap3A_421], %swap3A_424 {strides = array<i32>} : memref<64xi32, #tpu.memory_space<vmem>>, vector<16xi32>,
    %add3A_425 = arith.constant 16 : i32
    %add3A_426 = arith.addi %add3A_415, %add3A_425 : i32
    %iota3A_427 = tpu.iota {dimensions = array<i32: 0>} : vector<16xi32>
    %add3A_428 = vector.broadcast %add3A_426 : i32 to vector<16xi32>
    %add3A_429 = arith.addi %add3A_428, %iota3A_427 : vector<16xi32>
    %swap3A_430 = arith.constant 16 : index
    %swap3A_431 = tpu.vector_load %arg21[%swap3A_430] {strides = array<i32>} : memref<64xi32, #tpu.memory_space<vmem>>, vector<16xi32>,
    %swap3A_432 = vector.shape_cast %swap3A_431 : vector<16xi32> to vector<16xi32>
    %swap3A_433 = vector.shape_cast %add3A_429 : vector<16xi32> to vector<16xi32>
    tpu.vector_store %arg21[%swap3A_430], %swap3A_433 {strides = array<i32>} : memref<64xi32, #tpu.memory_space<vmem>>, vector<16xi32>,
    %add3A_434 = arith.constant 32 : i32
    %add3A_435 = arith.addi %add3A_415, %add3A_434 : i32
    %iota3A_436 = tpu.iota {dimensions = array<i32: 0>} : vector<16xi32>
    %add3A_437 = vector.broadcast %add3A_435 : i32 to vector<16xi32>
    %add3A_438 = arith.addi %add3A_437, %iota3A_436 : vector<16xi32>
    %swap3A_439 = arith.constant 32 : index
    %swap3A_440 = tpu.vector_load %arg21[%swap3A_439] {strides = array<i32>} : memref<64xi32, #tpu.memory_space<vmem>>, vector<16xi32>,
    %swap3A_441 = vector.shape_cast %swap3A_440 : vector<16xi32> to vector<16xi32>
    %swap3A_442 = vector.shape_cast %add3A_438 : vector<16xi32> to vector<16xi32>
    tpu.vector_store %arg21[%swap3A_439], %swap3A_442 {strides = array<i32>} : memref<64xi32, #tpu.memory_space<vmem>>, vector<16xi32>,
    %add3A_443 = arith.constant 48 : i32
    %add3A_444 = arith.addi %add3A_415, %add3A_443 : i32
    %iota3A_445 = tpu.iota {dimensions = array<i32: 0>} : vector<16xi32>
    %add3A_446 = vector.broadcast %add3A_444 : i32 to vector<16xi32>
    %add3A_447 = arith.addi %add3A_446, %iota3A_445 : vector<16xi32>
    %swap3A_448 = arith.constant 48 : index
    %swap3A_449 = tpu.vector_load %arg21[%swap3A_448] {strides = array<i32>} : memref<64xi32, #tpu.memory_space<vmem>>, vector<16xi32>,
    %swap3A_450 = vector.shape_cast %swap3A_449 : vector<16xi32> to vector<16xi32>
    %swap3A_451 = vector.shape_cast %add3A_447 : vector<16xi32> to vector<16xi32>
    tpu.vector_store %arg21[%swap3A_448], %swap3A_451 {strides = array<i32>} : memref<64xi32, #tpu.memory_space<vmem>>, vector<16xi32>,
    %dma_start3A_452 = arith.constant 0 : i32
    %dma_start3A_453 = arith.constant 0 : i32
    %dma_start3A_454 = tpu.memref_slice %arg5[%dma_start3A_452, %dma_start3A_453] : memref<16400x256xf32, #tpu.memory_space<hbm>> -> memref<16400x256xf32, #tpu.memory_space<hbm>>
    tpu.enqueue_indirect_dma source(%arg7 : memref<64x256xf32, #tpu.memory_space<vmem>>) target(%dma_start3A_454 : memref<16400x256xf32, #tpu.memory_space<hbm>>) offsets(%arg21 : memref<64xi32, #tpu.memory_space<vmem>>) semaphore(%arg32 : memref<!tpu.dma_semaphore, #tpu.memory_space<semaphore_mem>>)
    %dma_wait3A_455 = arith.constant 0 : i32
    %dma_wait3A_456 = arith.constant 0 : i32
    %dma_wait3A_457 = tpu.memref_slice %arg5[%dma_wait3A_455, %dma_wait3A_456] : memref<16400x256xf32, #tpu.memory_space<hbm>> -> memref<16400x256xf32, #tpu.memory_space<hbm>>
    tpu.wait_indirect_dma semaphore(%arg33 : memref<!tpu.dma_semaphore, #tpu.memory_space<semaphore_mem>>) src(%arg8 : memref<64x256xf32, #tpu.memory_space<vmem>>) dst(%dma_wait3A_457 : memref<16400x256xf32, #tpu.memory_space<hbm>>)
    %dma_wait3A_458 = arith.constant 0 : i32
    %dma_wait3A_459 = arith.constant 0 : i32
    %dma_wait3A_460 = tpu.memref_slice %arg5[%dma_wait3A_458, %dma_wait3A_459] : memref<16400x256xf32, #tpu.memory_space<hbm>> -> memref<16400x256xf32, #tpu.memory_space<hbm>>
    tpu.wait_indirect_dma semaphore(%arg34 : memref<!tpu.dma_semaphore, #tpu.memory_space<semaphore_mem>>) src(%arg9 : memref<64x256xf32, #tpu.memory_space<vmem>>) dst(%dma_wait3A_460 : memref<16400x256xf32, #tpu.memory_space<hbm>>)
    %dma_wait3A_461 = arith.constant 0 : i32
    %dma_wait3A_462 = arith.constant 0 : i32
    %dma_wait3A_463 = tpu.memref_slice %arg5[%dma_wait3A_461, %dma_wait3A_462] : memref<16400x256xf32, #tpu.memory_space<hbm>> -> memref<16400x256xf32, #tpu.memory_space<hbm>>
    tpu.wait_indirect_dma semaphore(%arg35 : memref<!tpu.dma_semaphore, #tpu.memory_space<semaphore_mem>>) src(%arg10 : memref<64x256xf32, #tpu.memory_space<vmem>>) dst(%dma_wait3A_463 : memref<16400x256xf32, #tpu.memory_space<hbm>>)
    %dma_wait3A_464 = arith.constant 0 : i32
    %dma_wait3A_465 = arith.constant 0 : i32
    %dma_wait3A_466 = tpu.memref_slice %arg5[%dma_wait3A_464, %dma_wait3A_465] : memref<16400x256xf32, #tpu.memory_space<hbm>> -> memref<16400x256xf32, #tpu.memory_space<hbm>>
    tpu.wait_indirect_dma semaphore(%arg36 : memref<!tpu.dma_semaphore, #tpu.memory_space<semaphore_mem>>) src(%arg11 : memref<64x256xf32, #tpu.memory_space<vmem>>) dst(%dma_wait3A_466 : memref<16400x256xf32, #tpu.memory_space<hbm>>)
    %dma_wait3A_467 = arith.constant 0 : i32
    %dma_wait3A_468 = arith.constant 0 : i32
    %dma_wait3A_469 = tpu.memref_slice %arg5[%dma_wait3A_467, %dma_wait3A_468] : memref<16400x256xf32, #tpu.memory_space<hbm>> -> memref<16400x256xf32, #tpu.memory_space<hbm>>
    tpu.wait_indirect_dma semaphore(%arg37 : memref<!tpu.dma_semaphore, #tpu.memory_space<semaphore_mem>>) src(%arg12 : memref<64x256xf32, #tpu.memory_space<vmem>>) dst(%dma_wait3A_469 : memref<16400x256xf32, #tpu.memory_space<hbm>>)
    %dma_wait3A_470 = arith.constant 0 : i32
    %dma_wait3A_471 = arith.constant 0 : i32
    %dma_wait3A_472 = tpu.memref_slice %arg5[%dma_wait3A_470, %dma_wait3A_471] : memref<16400x256xf32, #tpu.memory_space<hbm>> -> memref<16400x256xf32, #tpu.memory_space<hbm>>
    tpu.wait_indirect_dma semaphore(%arg38 : memref<!tpu.dma_semaphore, #tpu.memory_space<semaphore_mem>>) src(%arg13 : memref<64x256xf32, #tpu.memory_space<vmem>>) dst(%dma_wait3A_472 : memref<16400x256xf32, #tpu.memory_space<hbm>>)
    %dma_wait3A_473 = arith.constant 0 : i32
    %dma_wait3A_474 = arith.constant 0 : i32
    %dma_wait3A_475 = tpu.memref_slice %arg5[%dma_wait3A_473, %dma_wait3A_474] : memref<16400x256xf32, #tpu.memory_space<hbm>> -> memref<16400x256xf32, #tpu.memory_space<hbm>>
    tpu.wait_indirect_dma semaphore(%arg32 : memref<!tpu.dma_semaphore, #tpu.memory_space<semaphore_mem>>) src(%arg7 : memref<64x256xf32, #tpu.memory_space<vmem>>) dst(%dma_wait3A_475 : memref<16400x256xf32, #tpu.memory_space<hbm>>)
    %eq3A_476 = arith.constant 0 : i32
    %eq3A_477 = arith.cmpi eq, %add3A, %eq3A_476 : i32
    %convert_element_type3A = arith.extui %eq3A_477 : i1 to i32
    %cond3A = arith.constant 0 : i32
    %cond3A_478 = arith.cmpi ne, %convert_element_type3A, %cond3A : i32
    scf.if %cond3A_478 {
      "tpu.region"() ({
        %run_scoped3A = tpu.sem_alloc : memref<!tpu.dma_semaphore, #tpu.memory_space<semaphore_mem>>
        tpu.enqueue_dma source(%arg3 : memref<16x256xf32, #tpu.memory_space<hbm>>) target(%arg22 : memref<16x256xf32, #tpu.memory_space<vmem>>) target_semaphore(%run_scoped3A : memref<!tpu.dma_semaphore, #tpu.memory_space<semaphore_mem>>)
        tpu.wait_dma2 semaphore(%run_scoped3A : memref<!tpu.dma_semaphore, #tpu.memory_space<semaphore_mem>>) src(%arg3 : memref<16x256xf32, #tpu.memory_space<hbm>>) dst(%arg22 : memref<16x256xf32, #tpu.memory_space<vmem>>)
        tpu.yield
      }) : () -> ()
      %iota3A_484 = tpu.iota {dimensions = array<i32: 0>} : vector<16xi32>
      %mul3A_485 = arith.constant 1025 : i32
      %mul3A_486 = vector.broadcast %mul3A_485 : i32 to vector<16xi32>
      %mul3A_487 = arith.muli %mul3A_486, %iota3A_484 : vector<16xi32>
      %add3A_488 = arith.constant 1024 : i32
      %add3A_489 = vector.broadcast %add3A_488 : i32 to vector<16xi32>
      %add3A_490 = arith.addi %add3A_489, %mul3A_487 : vector<16xi32>
      %swap3A_491 = arith.constant 0 : index
      %swap3A_492 = tpu.vector_load %arg23[%swap3A_491] {strides = array<i32>} : memref<16xi32, #tpu.memory_space<vmem>>, vector<16xi32>,
      %swap3A_493 = vector.shape_cast %swap3A_492 : vector<16xi32> to vector<16xi32>
      %swap3A_494 = vector.shape_cast %add3A_490 : vector<16xi32> to vector<16xi32>
      tpu.vector_store %arg23[%swap3A_491], %swap3A_494 {strides = array<i32>} : memref<16xi32, #tpu.memory_space<vmem>>, vector<16xi32>,
      "tpu.region"() ({
        %run_scoped3A = tpu.sem_alloc : memref<!tpu.dma_semaphore, #tpu.memory_space<semaphore_mem>>
        %dma_start3A_495 = arith.constant 0 : i32
        %dma_start3A_496 = arith.constant 0 : i32
        %dma_start3A_497 = tpu.memref_slice %arg5[%dma_start3A_495, %dma_start3A_496] : memref<16400x256xf32, #tpu.memory_space<hbm>> -> memref<16400x256xf32, #tpu.memory_space<hbm>>
        tpu.enqueue_indirect_dma source(%arg22 : memref<16x256xf32, #tpu.memory_space<vmem>>) target(%dma_start3A_497 : memref<16400x256xf32, #tpu.memory_space<hbm>>) offsets(%arg23 : memref<16xi32, #tpu.memory_space<vmem>>) semaphore(%run_scoped3A : memref<!tpu.dma_semaphore, #tpu.memory_space<semaphore_mem>>)
        %dma_wait3A_498 = arith.constant 0 : i32
        %dma_wait3A_499 = arith.constant 0 : i32
        %dma_wait3A_500 = tpu.memref_slice %arg5[%dma_wait3A_498, %dma_wait3A_499] : memref<16400x256xf32, #tpu.memory_space<hbm>> -> memref<16400x256xf32, #tpu.memory_space<hbm>>
        tpu.wait_indirect_dma semaphore(%run_scoped3A : memref<!tpu.dma_semaphore, #tpu.memory_space<semaphore_mem>>) src(%arg22 : memref<16x256xf32, #tpu.memory_space<vmem>>) dst(%dma_wait3A_500 : memref<16400x256xf32, #tpu.memory_space<hbm>>)
        tpu.yield
      }) : () -> ()
    } else {
    }
    %eq3A_479 = arith.constant 1 : i32
    %eq3A_480 = arith.cmpi eq, %add3A, %eq3A_479 : i32
    %convert_element_type3A_481 = arith.extui %eq3A_480 : i1 to i32
    %cond3A_482 = arith.constant 0 : i32
    %cond3A_483 = arith.cmpi ne, %convert_element_type3A_481, %cond3A_482 : i32
    scf.if %cond3A_483 {
      "tpu.region"() ({
        %run_scoped3A = tpu.sem_alloc : memref<!tpu.dma_semaphore, #tpu.memory_space<semaphore_mem>>
        %dma_start3A_503 = arith.constant 0 : i32
        %dma_start3A_504 = tpu.memref_slice %arg24[%dma_start3A_503] : memref<32xi32, #tpu.memory_space<vmem>> -> memref<17xi32, #tpu.memory_space<vmem>>
        %dma_start3A_505 = arith.constant 0 : i32
        %dma_start3A_506 = tpu.memref_slice %arg24[%dma_start3A_505] : memref<32xi32, #tpu.memory_space<vmem>> -> memref<17xi32, #tpu.memory_space<vmem>>
        tpu.enqueue_dma source(%arg4 : memref<17xi32, #tpu.memory_space<hbm>>) target(%dma_start3A_506 : memref<17xi32, #tpu.memory_space<vmem>>) target_semaphore(%run_scoped3A : memref<!tpu.dma_semaphore, #tpu.memory_space<semaphore_mem>>)
        %dma_wait3A_507 = arith.constant 0 : i32
        %dma_wait3A_508 = tpu.memref_slice %arg24[%dma_wait3A_507] : memref<32xi32, #tpu.memory_space<vmem>> -> memref<17xi32, #tpu.memory_space<vmem>>
        %dma_wait3A_509 = arith.constant 0 : i32
        %dma_wait3A_510 = tpu.memref_slice %arg24[%dma_wait3A_509] : memref<32xi32, #tpu.memory_space<vmem>> -> memref<17xi32, #tpu.memory_space<vmem>>
        tpu.wait_dma2 semaphore(%run_scoped3A : memref<!tpu.dma_semaphore, #tpu.memory_space<semaphore_mem>>) src(%arg4 : memref<17xi32, #tpu.memory_space<hbm>>) dst(%dma_wait3A_510 : memref<17xi32, #tpu.memory_space<vmem>>)
        tpu.yield
      }) : () -> ()
      %iota3A_484 = tpu.iota {dimensions = array<i32: 0>} : vector<16xi32>
      %get3A = arith.constant 0 : index
      %get3A_485 = tpu.vector_load %arg24[%get3A] {strides = array<i32>} : memref<32xi32, #tpu.memory_space<vmem>>, vector<16xi32>,
      %get3A_486 = vector.shape_cast %get3A_485 : vector<16xi32> to vector<16xi32>
      %add3A_487 = arith.addi %get3A_486, %iota3A_484 : vector<16xi32>
      %swap3A_488 = arith.constant 0 : index
      %swap3A_489 = tpu.vector_load %arg24[%swap3A_488] {strides = array<i32>} : memref<32xi32, #tpu.memory_space<vmem>>, vector<16xi32>,
      %swap3A_490 = vector.shape_cast %swap3A_489 : vector<16xi32> to vector<16xi32>
      %swap3A_491 = vector.shape_cast %add3A_487 : vector<16xi32> to vector<16xi32>
      tpu.vector_store %arg24[%swap3A_488], %swap3A_491 {strides = array<i32>} : memref<32xi32, #tpu.memory_space<vmem>>, vector<16xi32>,
      %get3A_492 = arith.constant 16 : index
      %get3A_493 = tpu.vector_load %arg24[%get3A_492] {strides = array<i32>} : memref<32xi32, #tpu.memory_space<vmem>>, vector<16xi32>,
      %get3A_494 = vector.shape_cast %get3A_493 : vector<16xi32> to vector<16xi32>
      %add3A_495 = arith.addi %get3A_494, %iota3A_484 : vector<16xi32>
      %add3A_496 = arith.constant 16 : i32
      %add3A_497 = vector.broadcast %add3A_496 : i32 to vector<16xi32>
      %add3A_498 = arith.addi %add3A_495, %add3A_497 : vector<16xi32>
      %swap3A_499 = arith.constant 16 : index
      %swap3A_500 = tpu.vector_load %arg24[%swap3A_499] {strides = array<i32>} : memref<32xi32, #tpu.memory_space<vmem>>, vector<16xi32>,
      %swap3A_501 = vector.shape_cast %swap3A_500 : vector<16xi32> to vector<16xi32>
      %swap3A_502 = vector.shape_cast %add3A_498 : vector<16xi32> to vector<16xi32>
      tpu.vector_store %arg24[%swap3A_499], %swap3A_502 {strides = array<i32>} : memref<32xi32, #tpu.memory_space<vmem>>, vector<16xi32>,
      "tpu.region"() ({
        %run_scoped3A = tpu.sem_alloc : memref<!tpu.dma_semaphore, #tpu.memory_space<semaphore_mem>>
        %dma_start3A_503 = arith.constant 0 : i32
        %dma_start3A_504 = tpu.memref_slice %arg24[%dma_start3A_503] : memref<32xi32, #tpu.memory_space<vmem>> -> memref<17xi32, #tpu.memory_space<vmem>>
        %dma_start3A_505 = arith.constant 0 : i32
        %dma_start3A_506 = tpu.memref_slice %arg24[%dma_start3A_505] : memref<32xi32, #tpu.memory_space<vmem>> -> memref<17xi32, #tpu.memory_space<vmem>>
        tpu.enqueue_dma source(%dma_start3A_506 : memref<17xi32, #tpu.memory_space<vmem>>) target(%arg6 : memref<17xi32, #tpu.memory_space<hbm>>) target_semaphore(%run_scoped3A : memref<!tpu.dma_semaphore, #tpu.memory_space<semaphore_mem>>)
        %dma_wait3A_507 = arith.constant 0 : i32
        %dma_wait3A_508 = tpu.memref_slice %arg24[%dma_wait3A_507] : memref<32xi32, #tpu.memory_space<vmem>> -> memref<17xi32, #tpu.memory_space<vmem>>
        %dma_wait3A_509 = arith.constant 0 : i32
        %dma_wait3A_510 = tpu.memref_slice %arg24[%dma_wait3A_509] : memref<32xi32, #tpu.memory_space<vmem>> -> memref<17xi32, #tpu.memory_space<vmem>>
        tpu.wait_dma2 semaphore(%run_scoped3A : memref<!tpu.dma_semaphore, #tpu.memory_space<semaphore_mem>>) src(%dma_wait3A_510 : memref<17xi32, #tpu.memory_space<vmem>>) dst(%arg6 : memref<17xi32, #tpu.memory_space<hbm>>)
        tpu.yield
      }) : () -> ()
    } else {
    }
    return
  }
}

</mosaic_0001>

<sc_bundles>
// kernel: kernel.3.cloned.1.call-start
scs
__scs_entry_jumppad:
0x0: {  	(pc) =	sbr.rel $0x88, $3  }
0x1: {  	(tag) =	ssettag $0x0;
	lr =	simm.s32 $0x1  }
0x2: {  	[smem:$0x3F9D] =	sst lr;
	_ =	strace $0xD0000000  }
0x3: {  	_ = 	snop  }
0x4: {  	_ = 	snop  }
0x5: {  	_ = 	snop  }
0x6: {  	_ = 	snop  }
0x7: {  	_ = 	snop  }
__scs_overlays_trampoline_lowered:
0x8: {  	[smem:$0x3FAC] =	sst s0  }
0x9: {  	[smem:$0x3FAD] =	sst s1  }
0xa: {  	[smem:$0x3FAE] =	sst s2  }
0xb: {  	[smem:$0x3FAF] =	sst s3  }
0xc: {  	[smem:$0x3FB0] =	sst s4  }
0xd: {  	[smem:$0x3FB1] =	sst s5  }
0xe: {  	[smem:$0x3FB2] =	sst s6  }
0xf: {  	[smem:$0x3FB3] =	sst s7  }
0x10: {  	[smem:$0x3FB4] =	sst s8  }
0x11: {  	[smem:$0x3FB5] =	sst s9;
	s0 =	simm.s32 @!p0 $0x0  }
0x12: {  	s1 =	sld [smem:$0x3F9B];
	s0 =	simm.s32 @p0 $0x1  }
0x13: {  	[smem:$0x3FB6] =	sst s0;
	s0 =	simm.s32 @!p1 $0x0  }
0x14: {  	s2 =	sld [smem:$0x3F9A];
	s0 =	simm.s32 @p1 $0x1  }
0x15: {  	[smem:$0x3FB7] =	sst s0;
	s0 =	simm.s32 @!p2 $0x0  }
0x16: {  	s3 =	sld [smem:$0x3FDB];
	s0 =	simm.s32 @p2 $0x1  }
0x17: {  	s4 =	simm.s32 $0x1BF5;
	[smem:$0x3FB9] =	sst s0  }
0x18: {  	s0 =	sld [smem:$0x3F9C];
	_ =	swait.ge [sflag:s4], $0x0  }
0x19: {  	s7 =	sld [smem:$0x3F9D]  }
0x1a: {  	s8 =	sadd.s32 $0xFFFFE003, lr  }
0x1b: {  	s9 =	sadd.s32 $0xFFFFFEF7, lr;
	s5 =	simm.s32 $0xFFFFFFFF;
	p2 =	slt.u32 s8, $0xFFFFF086  }
0x1c: {  	p1 =	slt.u32 s9, $0xF7A;
	s5 =	simm.s32 @!p2 $0x0  }
0x1d: {  	s5 =	simm.s32 @p1 $0x1;
	p0 =	seq.s32 s7, s2  }
0x1e: {  	s7 =	smul.u32 @!p0 $0xF7A, s2;
	p2 =	seq.s32 @!p0 s5, $0x0  }
0x1f: {  	s9 =	smul.u32 $0xF7A, s1;
	s8 =	simm.s32 @!p0 $0x1BF5;
	p2 =	por !p2, p0  }
0x20: {  	[sflag:s8] =	ssyncset.s32 @!p0 $0xFFFFF086;
	s6 =	sadd.s32 @!p0 s3, s7;
	s7 =	simm.s32 @!p0 $0x108  }
0x21: {  	s3 =	sadd.s32 s3, s9;
	s6 =	sadd.s32 @!p0 $0x88, s6;
	s7 =	simm.s32 @p2 $0x1082  }
0x22: {  	[simem:s7], [sflag:s8] =	dma.local @!p0 [hbm:s6], $0xF7A  }
0x23: {  	s9 =	sor.u32 $0xD0000000, s2;
	s6 =	simm.s32 $0x108;
	_ =	swait.ge @!p0 [sflag:s8], $0x0  }
0x24: {  	s3 =	sadd.s32 $0x88, s3;
	s6 =	simm.s32 @!p1 $0x1082;
	[sflag:s4] =	ssyncset.s32 $0xFFFFF086  }
0x25: {  	[simem:s6], [sflag:s4] =	dma.local [hbm:s3], $0xF7A  }
0x26: {  	[smem:$0x3F9D] =	sst s1;
	(tag) =	ssettag s2;
	_ =	strace s9  }
0x27: {  	s1 =	sld [smem:$0x3FAD]  }
0x28: {  	s2 =	sld [smem:$0x3FAE]  }
0x29: {  	s4 =	sld [smem:$0x3FB0]  }
0x2a: {  	p0 =	seq.s32 s5, $0x0;
	s5 =	sld [smem:$0x3FB1]  }
0x2b: {  	s6 =	sld [smem:$0x3FB2]  }
0x2c: {  	s7 =	sld [smem:$0x3FB3]  }
0x2d: {  	s3 =	simm.s32 $0x108;
	s8 =	sld [smem:$0x3FB4]  }
0x2e: {  	s3 =	simm.s32 @!p0 $0x1082;
	s9 =	sld [smem:$0x3FB5]  }
0x2f: {  	lr =	sadd.s32 s0, s3;
	s0 =	sld [smem:$0x3FAC]  }
0x30: {  	s3 =	sld [smem:$0x3FAF]  }
0x31: {  	[smem:$0x3FB8] =	sst s10  }
0x32: {  	s10 =	sld [smem:$0x3FB6];
	_ =	sdelay $0x3  }
0x33: {  	p0 =	seq.s32 s10, $0x1;
	s10 =	sld [smem:$0x3FB8];
	_ =	sdelay $0x3  }
0x34: {  	[smem:$0x3FB8] =	sst s10  }
0x35: {  	s10 =	sld [smem:$0x3FB7];
	_ =	sdelay $0x3  }
0x36: {  	p1 =	seq.s32 s10, $0x1;
	s10 =	sld [smem:$0x3FB8];
	_ =	sdelay $0x3  }
0x37: {  	[smem:$0x3FB8] =	sst s10  }
0x38: {  	s10 =	sld [smem:$0x3FB9]  }
0x39: {  	_ = 	snop;
	(pc) =	sbr.ind lr, $3  }
0x3a: {  	_ = 	snop  }
0x3b: {  	_ = 	snop  }
0x3c: {  	p2 =	seq.s32 s10, $0x1;
	s10 =	sld [smem:$0x3FB8]  }
0x3d: {  	_ =	shalt  }
0x3e: {  	_ =	shalt  }
0x3f: {  	_ =	shalt  }
0x40: {  	_ =	shalt  }
0x41: {  	_ =	shalt  }
0x42: {  	_ =	shalt  }
0x43: {  	_ =	shalt  }
0x44: {  	_ =	shalt  }
0x45: {  	_ =	shalt  }
0x46: {  	_ =	shalt  }
0x47: {  	_ =	shalt  }
0x48: {  	_ =	shalt  }
0x49: {  	_ =	shalt  }
0x4a: {  	_ =	shalt  }
0x4b: {  	_ =	shalt  }
0x4c: {  	_ =	shalt  }
0x4d: {  	_ =	shalt  }
0x4e: {  	_ =	shalt  }
0x4f: {  	_ =	shalt  }
0x50: {  	_ =	shalt  }
0x51: {  	_ =	shalt  }
0x52: {  	_ =	shalt  }
0x53: {  	_ =	shalt  }
0x54: {  	_ =	shalt  }
0x55: {  	_ =	shalt  }
0x56: {  	_ =	shalt  }
0x57: {  	_ =	shalt  }
0x58: {  	_ =	shalt  }
0x59: {  	_ =	shalt  }
0x5a: {  	_ =	shalt  }
0x5b: {  	_ =	shalt  }
0x5c: {  	_ =	shalt  }
0x5d: {  	_ =	shalt  }
0x5e: {  	_ =	shalt  }
0x5f: {  	_ =	shalt  }
0x60: {  	_ =	shalt  }
0x61: {  	_ =	shalt  }
0x62: {  	_ =	shalt  }
0x63: {  	_ =	shalt  }
0x64: {  	_ =	shalt  }
0x65: {  	_ =	shalt  }
0x66: {  	_ =	shalt  }
0x67: {  	_ =	shalt  }
0x68: {  	_ =	shalt  }
0x69: {  	_ =	shalt  }
0x6a: {  	_ =	shalt  }
0x6b: {  	_ =	shalt  }
0x6c: {  	_ =	shalt  }
0x6d: {  	_ =	shalt  }
0x6e: {  	_ =	shalt  }
0x6f: {  	_ =	shalt  }
0x70: {  	_ =	shalt  }
0x71: {  	_ =	shalt  }
0x72: {  	_ =	shalt  }
0x73: {  	_ =	shalt  }
0x74: {  	_ =	shalt  }
0x75: {  	_ =	shalt  }
0x76: {  	_ =	shalt  }
0x77: {  	_ =	shalt  }
0x78: {  	_ =	shalt  }
0x79: {  	_ =	shalt  }
0x7a: {  	_ =	shalt  }
0x7b: {  	_ =	shalt  }
0x7c: {  	_ =	shalt  }
0x7d: {  	_ =	shalt  }
0x7e: {  	_ =	shalt  }
0x7f: {  	_ =	shalt  }
0x80: {  	_ =	shalt  }
0x81: {  	_ =	shalt  }
0x82: {  	_ =	shalt  }
0x83: {  	_ =	shalt  }
0x84: {  	_ =	shalt  }
0x85: {  	_ =	shalt  }
0x86: {  	_ =	shalt  }
0x87: {  	_ =	shalt  }
.Lfunc_end0:
.L_simem_size_0:
called_computation_lowered:
.L_overlay_start_0:
0x88: {  	s2 =	sld [smem:$0x3FD9]  }
0x89: {  	s3 =	sld [smem:$0x3FFE];
	_ =	sdelay $0x1  }
0x8a: {  	s1 =	srdreg.scid  }
0x8b: {  	s0 =	sand.u32 $0x1, s1  }
0x8c: {  	s14 =	sshll.u32 s0, $0xA;
	s2 =	sadd.s32 s3, s2  }
0x8d: {  	s2 =	sadd.s32 s2, s14  }
0x8e: {  	[smem:$0x3FC4] =	sst s2  }
0x8f: {  	_ = 	snop  }
0x90: {  	s2 =	sld [smem:$0x3FD0];
	_ =	sdelay $0x1  }
0x91: {  	s15 =	sld [smem:$0x3FC9]  }
0x92: {  	s5 =	simm.s32 $0xA;
	s6 =	simm.s32 $0x10;
	s4 =	sld [smem:$0x3FC7]  }
0x93: {  	[smem:s6], [sflag:s5] =	dma.local [hbm:s2], $0x1  }
0x94: {  	_ =	swait.eq [sflag:s5], $0x1  }
0x95: {  	[sflag:s5] =	ssyncset.done $0x0  }
0x96: {  	s16 =	sld [smem:$0x10];
	[sflag:s5] =	ssyncadd.s32 $0xFFFFFFFF  }
0x97: {  	s17 =	sld [smem:$0x12];
	(tm) =	ssettm $0x1  }
0x98: {  	s18 =	sld [smem:$0x3FFB];
	_ =	sdelay $0x3  }
0x99: {  	_ =	strace s18  }
0x9a: {  	s6 =	sld [smem:$0x3FFC];
	_ =	sdelay $0x3  }
0x9b: {  	_ =	strace s6  }
0x9c: {  	s6 =	sld [smem:$0x3FFD];
	_ =	sdelay $0x3  }
0x9d: {  	_ =	strace s6  }
0x9e: {  	_ =	strace $0x8FFFFFFF  }
0x9f: {  	s19 =	sld [smem:$0x3FDB];
	_ =	sdelay $0x1  }
0xa0: {  	s7 =	simm.s32 $_scs_section_size  }
0xa1: {  	s8 =	simm.s32 $_size__tile_overlayer_lowered;
	s9 =	simm.s32 $_tile_overlayer_lowered  }
0xa2: {  	s22 =	simm.s32 $0x1BFF;
	s21 =	sshll.u32 s9, $0x1;
	s6 =	sadd.s32 s7, s19  }
0xa3: {  	s10 =	simm.s32 $0x0;
	s20 =	sshll.u32 s8, $0x1;
	s8 =	sadd.s32 s21, s6  }
0xa4: {  	[timem:s10], [sflag:s22] =	dma.local [hbm:s8], s20  }
0xa5: {  	_ =	swait.ge [sflag:s22], s20  }
0xa6: {  	s7 =	ssub.s32 $0x0, s20;
	[sflag:s22] =	ssyncset.done $0x0  }
0xa7: {  	[sflag:s22] =	ssyncadd.s32 s7;
	_ =	sdelay $0x1  }
0xa8: {  	s23 =	simm.s32 $0x1B8B  }
0xa9: {  	_ =	swait.ge [sflag:s23], $0x1  }
0xaa: {  	[sflag:s23] =	ssyncset.done $0x0  }
0xab: {  	s25 =	simm.s32 $0x1B8E;
	s24 =	sld [smem:$0x3FFE];
	[sflag:s23] =	ssyncadd.s32 $0xFFFFFFFF  }
0xac: {  	s26 =	simm.s32 $execute0_lowered;
	[smem:$0x3FD2] =	sst s25  }
0xad: {  	s8 =	sshll.u32 s26, $0x1;
	_ =	strace $0x80000046;
	[dreg:$0x1] =	wrdreg $0xFFFFFFFF  }
0xae: {  	s28 =	simm.s32 $_size_execute0_lowered;
	s6 =	sadd.s32 s6, s8;
	[dreg:$0x0] =	wrdreg $0x0  }
0xaf: {  	s8 =	sshll.u32 s28, $0x1;
	[dreg:$0x2] =	wrdreg s6  }
0xb0: {  	[dreg:$0x3] =	wrdreg s8  }
0xb1: {  	[dreg:$0x4] =	wrdreg $0xC0  }
0xb2: {  	_ =	task [dreg:s10], $0x5FFFF  }
0xb3: {  	[dreg:$0x1] =	wrdreg $0xFFFFFFFF  }
0xb4: {  	[dreg:$0x0] =	wrdreg $0x60  }
0xb5: {  	[dreg:$0x2] =	wrdreg s15  }
0xb6: {  	[dreg:$0x3] =	wrdreg s24  }
0xb7: {  	[dreg:$0x4] =	wrdreg s4  }
0xb8: {  	[dreg:$0x5] =	wrdreg s16  }
0xb9: {  	[dreg:$0x6] =	wrdreg s17  }
0xba: {  	[dreg:$0x7] =	wrdreg $0x9  }
0xbb: {  	_ =	task.clear_ibuf [dreg:s10], $0x8FFFF;
	_ =	strace $0x90000046  }
0xbc: {  	s29 =	simm.s32 $0x9;
	_ =	strace $0x80000048  }
0xbd: {  	_ =	swait.ge [sflag:s29], $0x1  }
0xbe: {  	[sflag:s29] =	ssyncadd.s32 $0xFFFFFFFF  }
0xbf: {  	_ =	strace $0x90000048  }
0xc0: {  	_ =	sfence  }
0xc1: {  	s30 =	sld [smem:$0x0];
	_ =	sdelay $0x2  }
0xc2: {  	s31 =	sshll.u32 s1, $0xD;
	s1 =	sshrl.u32 s1, $0x2  }
0xc3: {  	s3 =	sand.u32 $0x4000, s31;
	s1 =	sadd.s32 s1, s30  }
0xc4: {  	s0 =	sor.u32 s3, s0;
	s1 =	sshll.u32 s1, $0x11  }
0xc5: {  	s0 =	sor.u32 s1, s0  }
0xc6: {  	s0 =	sadd.s32 $0x8F2B, s0  }
0xc7: {  	[sflag:s0] =	ssyncadd.remote.s32 $0x1  }
0xc8: {  	_ =	sfence.sel $0xFFFF  }
0xc9: {  	[dreg:$0x0] =	wrdreg $0xFFFFFFFF;
	(pc) =	sbr.abs _section_cstart, $3  }
0xca: {  	[dreg:$0x1] =	wrdreg $0xFFFFFFFF  }
0xcb: {  	_ =	task.clear_ibuf [dreg:s10], $0x2FFFF;
	_ =	strace $0x9FFFFFFF  }
0xcc: {  	(tm) =	ssettm $0x7FFFFFFF  }
0xcd: {  	_ =	shalt  }
tec
execute0_lowered:
.L_overlay_start_1:
0x0: {  	(tag) =	ssettag $0x1  }
0x1: {  	s4 =	rddreg [dreg:$0x0]  }
0x2: {  	s1 =	srdreg.scid;
	s5 =	rddreg [dreg:$0x1]  }
0x3: {  	s0 =	stileid.u32;
	s3 =	rddreg [dreg:$0x2]  }
0x4: {  	s16 =	rddreg [dreg:$0x4];
	s7 =	simm.s32 $0x1;
	s14 =	simm.s32 $0x6000  }
0x5: {  	s28 =	simm.s32 $0xA;
	s29 =	simm.s32 $0xB;
	[dreg:$0x7] =	wrdreg s3  }
0x6: {  	s30 =	simm.s32 $0xC;
	s6 =	sand.u32 $0x1, s1;
	s1 =	rddreg [dreg:$0x3]  }
0x7: {  	s31 =	simm.s32 $0xD;
	s15 =	sshll.u32 s0, $0x1;
	[dreg:$0x8] =	wrdreg s16  }
0x8: {  	s3 =	simm.s32 $0x0;
	s5 =	sadd.s32 $0xC00, s5;
	s2 =	sor.u32 s6, s15  }
0x9: {  	p1 =	seq.s32 s6, $0x1;
	s9 =	sshll.u32 s6, $0xE;
	[smem:$0x7FF] =	sst s3  }
0xa: {  	s19 =	ssub.s32 $0x2, s6;
	s6 =	sshll.u32 s6, $0x9;
	p0 =	seq.s32 s2, $0x0  }
0xb: {  	_ =	strace $0x80000047;
	[dreg:$0x6] =	wrdreg s5;
	s21 =	sshrl.u32 s19, $0x1  }
0xc: {  	[dreg:$0x14] =	wrdreg s14;
	s14 =	simm.s32 $0x6800;
	p0 =	por !p0, !p1  }
0xd: {  	s5 =	ssub.s32 s19, s21;
	[dreg:$0x15] =	wrdreg s14;
	p0 =	por !p0, !p0  }
0xe: {  	s5 =	smax.u32 s5, $0x1;
	s7 =	simm.s32 @!p0 $0x0;
	p0 =	seq.s32 s2, $0x1  }
0xf: {  	s7 =	ssub.s32 s0, s7;
	s0 =	simm.s32 $0x4800;
	p1 =	sne.s32 @!p0 s2, $0x0  }
0x10: {  	s2 =	simm.s32 $0xE;
	s8 =	sshll.u32 s7, $0xF;
	s7 =	smul.u32 $0x401, s7  }
0x11: {  	[dreg:$0x11] =	wrdreg s0;
	s0 =	simm.s32 $0x9000;
	p1 =	por p1, p0  }
0x12: {  	s8 =	sor.u32 s9, s8;
	[dreg:$0x19] =	wrdreg s0;
	s0 =	simm.s32 $0xD000  }
0x13: {  	s9 =	sand.u32 $0x1FFFC000, s8;
	s17 =	sadd.s32 s4, s8;
	s6 =	sadd.s32 s6, s7  }
0x14: {  	s8 =	simm.s32 $0x5000;
	[smem:$0x7E3] =	sst s0;
	s0 =	simm.s32 $0x11000  }
0x15: {  	s18 =	sadd.s32 s9, s4;
	[dreg:$0x9] =	wrdreg s17;
	s12 =	sadd.s32 $0x10, s6  }
0x16: {  	s13 =	sadd.s32 $0x20, s6;
	s15 =	sadd.s32 $0x30, s6;
	[dreg:$0x12] =	wrdreg s8  }
0x17: {  	s16 =	sadd.s32 $0x40, s6;
	s9 =	simm.s32 $0x5800;
	[smem:$0x7EA] =	sst s0  }
0x18: {  	s17 =	sadd.s32 $0x50, s6;
	s4 =	sadd.s32 $0x800, s18;
	[dreg:$0x13] =	wrdreg s9  }
0x19: {  	s19 =	sadd.s32 $0x70, s6;
	s20 =	sadd.s32 $0x1000, s18;
	[dreg:$0xa] =	wrdreg s4  }
0x1a: {  	s21 =	sadd.s32 $0x90, s6;
	s22 =	sadd.s32 $0x1800, s18;
	[dreg:$0xb] =	wrdreg s20  }
0x1b: {  	v34 =	vlaneseq.u32;
	s11 =	sadd.s32 $0xD0, s6;
	s23 =	sadd.s32 $0x2000, s18;
	[dreg:$0xc] =	wrdreg s22  }
0x1c: {  	v33 =	vshrl.u32 v34, $0x3;
	s10 =	sadd.s32 $0xE0, s6;
	s24 =	sadd.s32 $0x2800, s18;
	[dreg:$0xd] =	wrdreg s23  }
0x1d: {  	vm0 =	vmmov $0xffff;
	v32 =	vand.u32 $0x7, v34;
	v33 =	vmul.u32 $0x8, v33;
	s7 =	sadd.s32 $0xF0, s6;
	s25 =	sadd.s32 $0x3000, s18;
	[dreg:$0xe] =	wrdreg s24  }
0x1e: {  	vm3 =	vcmask @!p1 $0xB08;
	vm4 =	vcmask @!p1 $0xF0C;
	vm5 =	vcmask @!p1 $0x1310;
	s8 =	sadd.s32 $0x100, s6;
	s26 =	sadd.s32 $0x3800, s18;
	[dreg:$0xf] =	wrdreg s25  }
0x1f: {  	vm6 =	vcmask @!p1 $0x1714;
	vm7 =	vcmask @!p1 $0x1B18;
	s14 =	sadd.s32 $0x130, s6;
	v7 =	vadd.s32 s19, v34;
	s19 =	simm.s32 $0xA000;
	[dreg:$0x10] =	wrdreg s26  }
0x20: {  	vm8 =	vcmask @!p1 $0x1F1C;
	vm9 =	vcmask @!p1 $0x2320;
	s18 =	sadd.s32 $0x60, s6;
	v19 =	vadd.s32 s14, v34;
	s14 =	simm.s32 $0x16000;
	[dreg:$0x1b] =	wrdreg s19  }
0x21: {  	vm10 =	vcmask @!p1 $0x2724;
	vm11 =	vcmask @!p1 $0x2B28;
	vm12 =	vcmask @!p1 $0x2F2C;
	s9 =	sadd.s32 $0x110, s6;
	s25 =	simm.s32 $0x7000;
	[smem:$0x7F3] =	sst s14  }
0x22: {  	vm13 =	vcmask @!p1 $0x3330;
	vm14 =	vcmask @!p1 $0x3734;
	v1 =	vadd.s32 s12, v34;
	s12 =	sadd.s32 $0x120, s6;
	s26 =	simm.s32 $0x8800;
	[dreg:$0x16] =	wrdreg s25  }
0x23: {  	v0 =	vadd.s32 s6, v34;
	v2 =	vadd.s32 s13, v34;
	s13 =	sadd.s32 $0x140, s6;
	v6 =	vadd.s32 s18, v34;
	s18 =	simm.s32 $0x9800;
	[dreg:$0x18] =	wrdreg s26  }
0x24: {  	vm15 =	vcmask @!p1 $0x3B38;
	vm1 =	vmmov @!p1 $0xffff;
	v3 =	vshll.u32 v0, $0x1;
	s23 =	sadd.s32 $0xB0, s6;
	s25 =	simm.s32 $0x7800;
	[dreg:$0x1a] =	wrdreg s18  }
0x25: {  	v4 =	vand.u32 $0x7, v0;
	s22 =	sadd.s32 $0xA0, s6;
	v5 =	vand.u32 $0xFFFFFFF0, v3;
	v11 =	vadd.s32 s23, v34;
	s23 =	simm.s32 $0xB000;
	[dreg:$0x17] =	wrdreg s25  }
0x26: {  	v3 =	vadd.s32 s15, v34;
	v18 =	vadd.s32 s12, v34;
	s15 =	sadd.s32 $0x1E0, s6;
	v35 =	vor.u32 v4, v5;
	s26 =	simm.s32 $0xC800;
	[dreg:$0x1d] =	wrdreg s23  }
0x27: {  	v4 =	vadd.s32 s16, v34;
	v5 =	vadd.s32 s17, v34;
	s17 =	sadd.s32 $0x160, s6;
	v10 =	vadd.s32 s22, v34;
	s22 =	simm.s32 $0xE800;
	[dreg:$0x1f] =	wrdreg s26  }
0x28: {  	s18 =	sadd.s32 $0x170, s6;
	v30 =	vadd.s32 s15, v34;
	s15 =	simm.s32 $0x16800;
	v8 =	vshll.u32 v4, $0x1;
	v9 =	vand.u32 $0x7, v4;
	[smem:$0x7E6] =	sst s22  }
0x29: {  	s20 =	sadd.s32 $0x80, s6;
	s25 =	simm.s32 $0xB800;
	v22 =	vadd.s32 s17, v34;
	v23 =	vadd.s32 s18, v34;
	[smem:$0x7F4] =	sst s15;
	v8 =	vand.u32 $0xFFFFFFF0, v8  }
0x2a: {  	s23 =	sadd.s32 $0x1F0, s6;
	s26 =	simm.s32 $0x10800;
	v40 =	vperm.xlane v35, v32;
	[dreg:$0x1e] =	wrdreg s25;
	v37 =	vor.u32 v9, v8;
	v8 =	vadd.s32 s20, v34  }
0x2b: {  	s24 =	sadd.s32 $0xC0, s6;
	s17 =	simm.s32 $0x17800;
	[smem:$0x7E9] =	sst s26;
	v31 =	vadd.s32 s23, v34;
	v9 =	vadd.s32 s21, v34;
	v12 =	vshll.u32 v8, $0x1  }
0x2c: {  	s4 =	simm.s32 $0x1;
	s18 =	simm.s32 $0x18800;
	[smem:$0x7F6] =	sst s17;
	v13 =	vand.u32 $0x7, v8;
	v14 =	vand.u32 $0xFFFFFFF0, v12;
	v12 =	vadd.s32 s24, v34  }
0x2d: {  	s19 =	sadd.s32 $0x180, s6;
	s22 =	simm.s32 $0x19800;
	[smem:$0x7F7] =	sst s18;
	v56 =	vperm.xlane v37, v32;
	v38 =	vor.u32 v13, v14;
	v15 =	vshll.u32 v12, $0x1  }
0x2e: {  	s12 =	sadd.s32 $0x1D0, s6;
	s25 =	simm.s32 $0xF800;
	[smem:$0x7F9] =	sst s22;
	v13 =	vadd.s32 s11, v34;
	v16 =	vand.u32 $0x7, v12;
	v17 =	vand.u32 $0xFFFFFFF0, v15  }
0x2f: {  	s14 =	simm.s32 $0x1000;
	s23 =	simm.s32 $0x1A000;
	[smem:$0x7E8] =	sst s25;
	v14 =	vadd.s32 s10, v34;
	v39 =	vor.u32 v16, v17;
	v16 =	vadd.s32 s8, v34  }
0x30: {  	s16 =	sadd.s32 $0x150, s6;
	s26 =	simm.s32 $0x1B800;
	[smem:$0x7FA] =	sst s23;
	v15 =	vadd.s32 s7, v34;
	v58 =	vperm.xlane v38, v32;
	v20 =	vshll.u32 v16, $0x1  }
0x31: {  	s21 =	simm.s32 $0xA800;
	s20 =	sadd.s32 $0x190, s6;
	[smem:$0x7FD] =	sst s26;
	v17 =	vadd.s32 s9, v34;
	v21 =	vand.u32 $0x7, v16;
	v20 =	vand.u32 $0xFFFFFFF0, v20  }
0x32: {  	s25 =	simm.s32 $0x1B000;
	[dreg:$0x1c] =	wrdreg s21;
	s21 =	sadd.s32 $0x1C0, s6;
	v60 =	vperm.xlane v39, v32;
	v43 =	vor.u32 v21, v20;
	v20 =	vadd.s32 s13, v34  }
0x33: {  	[smem:$0x7FC] =	sst s25;
	s24 =	simm.s32 $0xF000;
	s11 =	sadd.s32 $0x1A0, s6;
	v21 =	vadd.s32 s16, v34;
	v24 =	vshll.u32 v20, $0x1;
	v25 =	vand.u32 $0x7, v20  }
0x34: {  	s10 =	sadd.s32 $0x1B0, s6;
	[smem:$0x7E7] =	sst s24;
	s6 =	simm.s32 $0x11800;
	v48 =	vperm.xlane v43, v32;
	v26 =	vand.u32 $0xFFFFFFF0, v24;
	v24 =	vadd.s32 s19, v34  }
0x35: {  	s15 =	simm.s32 $0x1800;
	s24 =	simm.s32 $0x1A800;
	[smem:$0x7EB] =	sst s6;
	v44 =	vor.u32 v25, v26;
	v25 =	vadd.s32 s20, v34;
	v27 =	vshll.u32 v24, $0x1  }
0x36: {  	s22 =	simm.s32 $0x4;
	s7 =	simm.s32 $0x12000;
	[smem:$0x7FB] =	sst s24;
	v26 =	vadd.s32 s11, v34;
	v28 =	vand.u32 $0x7, v24;
	v29 =	vand.u32 $0xFFFFFFF0, v27  }
0x37: {  	s17 =	simm.s32 $0x2800;
	s8 =	simm.s32 $0xD800;
	[smem:$0x7EC] =	sst s7;
	v27 =	vadd.s32 s10, v34;
	v62 =	vperm.xlane v44, v32;
	v45 =	vor.u32 v28, v29  }
0x38: {  	s18 =	simm.s32 $0x3000;
	s9 =	simm.s32 $0xE000;
	[smem:$0x7E4] =	sst s8;
	v28 =	vadd.s32 s21, v34;
	v29 =	vadd.s32 s12, v34;
	v34 =	vor.u32 $0x8, v34  }
0x39: {  	s23 =	simm.s32 $0x5;
	[smem:$0x7E5] =	sst s9;
	s8 =	simm.s32 $0x12800;
	v36 =	vshll.u32 v28, $0x1;
	v41 =	vand.u32 $0x7, v28;
	v42 =	vperm.xlane v35, v34  }
0x3a: {  	s26 =	simm.s32 $0x9;
	s9 =	simm.s32 $0x13000;
	[smem:$0x7ED] =	sst s8;
	v35 =	vadd.s32 v33, v40;
	v57 =	vperm.xlane v37, v34;
	v37 =	vadd.s32 v33, v56  }
0x3b: {  	s25 =	simm.s32 $0x7;
	[smem:$0x7EE] =	sst s9;
	s13 =	simm.s32 $0x15800;
	v59 =	vperm.xlane v38, v34;
	v47 =	vperm.xlane v39, v34;
	v39 =	vadd.s32 v33, v58  }
0x3c: {  	s24 =	simm.s32 $0x6;
	s16 =	simm.s32 $0x17000;
	[smem:$0x7F2] =	sst s13;
	v61 =	vperm.xlane v43, v34;
	v43 =	vadd.s32 v33, v48;
	v49 =	vperm.xlane v44, v34  }
0x3d: {  	s9 =	simm.s32 $0xC000;
	[smem:$0x7F5] =	sst s16;
	s13 =	simm.s32 $0x800;
	v63 =	vperm.xlane v45, v32;
	v50 =	vperm.xlane v45, v34;
	v36 =	vand.u32 $0xFFFFFFF0, v36  }
0x3e: {  	s16 =	simm.s32 $0x2000;
	s19 =	simm.s32 $0x8;
	s11 =	simm.s32 $0x14800;
	v45 =	vadd.s32 v33, v62;
	v46 =	vor.u32 v41, v36;
	v36 =	vadd.s32 v33, v42  }
0x3f: {  	s20 =	simm.s32 $0x19000;
	s10 =	simm.s32 $0x13800;
	[smem:$0x7F0] =	sst s11;
	v38 =	vadd.s32 v33, v57;
	v40 =	vadd.s32 v33, v59;
	v41 =	vadd.s32 v33, v60  }
0x40: {  	[smem:$0x7F8] =	sst s20;
	s11 =	simm.s32 $0x14000;
	s20 =	simm.s32 $0x3800;
	v42 =	vadd.s32 v33, v47;
	v51 =	vperm.xlane v46, v32;
	v52 =	vperm.xlane v46, v34  }
0x41: {  	[smem:$0x7EF] =	sst s10;
	s12 =	simm.s32 $0x15000;
	s21 =	simm.s32 $0x3;
	v44 =	vadd.s32 v33, v61;
	v47 =	vadd.s32 v33, v63;
	v48 =	vadd.s32 v33, v50  }
0x42: {  	s10 =	simm.s32 $0x10000;
	[smem:$0x7F1] =	sst s12;
	s12 =	simm.s32 $0x18000;
	v46 =	vadd.s32 v33, v49;
	v49 =	vadd.s32 v33, v51;
	v50 =	vadd.s32 v33, v52  }
.LBB2_1:
0x43: {  	s0 =	rddreg [dreg:$0x9]  }
0x44: {  	[tilespmem:s3], [sflag:$0x1] =	stream.linear.gather [hbm4b:s0+s3], $0x4000, $0x38;
	[tilespmem:$0x1D500] =	vst v63  }
0x45: {  	s6 =	rddreg [dreg:$0xa];
	s7 =	simm.s32 $0x4000  }
0x46: {  	[tilespmem:s7], [sflag:$0x2] =	stream.linear.gather [hbm4b:s6+s3], $0x4000, $0x38;
	[tilespmem:$0x1D500] =	vst v63  }
0x47: {  	s8 =	simm.s32 $0x8000;
	s0 =	rddreg [dreg:$0xb]  }
0x48: {  	[tilespmem:s8], [sflag:$0x3] =	stream.linear.gather [hbm4b:s0+s3], $0x4000, $0x38;
	[tilespmem:$0x1D500] =	vst v63  }
0x49: {  	s6 =	rddreg [dreg:$0xc]  }
0x4a: {  	[tilespmem:s9], [sflag:$0x4] =	stream.linear.gather [hbm4b:s6+s3], $0x4000, $0x38;
	[tilespmem:$0x1D500] =	vst v63  }
0x4b: {  	s0 =	rddreg [dreg:$0xd]  }
0x4c: {  	[tilespmem:s10], [sflag:$0x5] =	stream.linear.gather [hbm4b:s0+s3], $0x4000, $0x38;
	[tilespmem:$0x1D500] =	vst v63  }
0x4d: {  	s6 =	rddreg [dreg:$0xe]  }
0x4e: {  	[tilespmem:s11], [sflag:$0x6] =	stream.linear.gather [hbm4b:s6+s3], $0x4000, $0x38;
	[tilespmem:$0x1D500] =	vst v63  }
0x4f: {  	s0 =	rddreg [dreg:$0xf]  }
0x50: {  	[tilespmem:s12], [sflag:$0x7] =	stream.linear.gather [hbm4b:s0+s3], $0x4000, $0x38;
	[tilespmem:$0x1D500] =	vst v63  }
0x51: {  	_ =	swait.ge [sflag:s4], $0x4000  }
0x52: {  	[sflag:s4] =	ssyncset.done $0x0  }
0x53: {  	[sflag:s4] =	ssyncadd.s32 $0xFFFFC000  }
0x54: {  	[tilespmem:$0x1C000] =	vst v0  }
0x55: {  	[tilespmem:$0x1C010] =	vst v1  }
0x56: {  	[tilespmem:$0x1C020] =	vst v2  }
0x57: {  	[tilespmem:$0x1C030] =	vst v3  }
0x58: {  	[hbm4b:s1+s3] =	stream.indirect_vreg.scatter [tilespmem:s3], [sflag:$0x8], $0x80, v35, vm0, $0xb8;
	[tilespmem:$0x1D500] =	vst v63  }
0x59: {  	_ = 	snop  }
0x5a: {  	[hbm4b:s1+s3] =	stream.indirect_vreg.scatter [tilespmem:s13], [sflag:$0x8], $0x80, v36, vm0, $0xb8;
	[tilespmem:$0x1D500] =	vst v63  }
0x5b: {  	v51 =	vld [tilespmem:$0x1C010];
	_ =	sdelay $0x4  }
0x5c: {  	v52 =	vshll.u32 v51, $0x1  }
0x5d: {  	v51 =	vand.u32 $0x7, v51;
	v52 =	vand.u32 $0xFFFFFFF0, v52  }
0x5e: {  	v51 =	vor.u32 v51, v52  }
0x5f: {  	v52 =	vperm.xlane v51, v32;
	_ =	sdelay $0x1  }
0x60: {  	v51 =	vperm.xlane v51, v34;
	v52 =	vadd.s32 v33, v52;
	_ =	sdelay $0x1  }
0x61: {  	v51 =	vadd.s32 v33, v51;
	_ =	sdelay $0x2  }
0x62: {  	[hbm4b:s1+s3] =	stream.indirect_vreg.scatter [tilespmem:s14], [sflag:$0x8], $0x80, v52, vm0, $0xb8;
	[tilespmem:$0x1D500] =	vst v63  }
0x63: {  	_ = 	snop  }
0x64: {  	[hbm4b:s1+s3] =	stream.indirect_vreg.scatter [tilespmem:s15], [sflag:$0x8], $0x80, v51, vm0, $0xb8;
	[tilespmem:$0x1D500] =	vst v63  }
0x65: {  	v51 =	vld [tilespmem:$0x1C020];
	_ =	sdelay $0x4  }
0x66: {  	v58 =	vshll.u32 v51, $0x1  }
0x67: {  	v51 =	vand.u32 $0x7, v51;
	v52 =	vand.u32 $0xFFFFFFF0, v58  }
0x68: {  	v51 =	vor.u32 v51, v52  }
0x69: {  	v52 =	vperm.xlane v51, v32;
	_ =	sdelay $0x1  }
0x6a: {  	v51 =	vperm.xlane v51, v34;
	v52 =	vadd.s32 v33, v52;
	_ =	sdelay $0x1  }
0x6b: {  	v51 =	vadd.s32 v33, v51;
	_ =	sdelay $0x2  }
0x6c: {  	[hbm4b:s1+s3] =	stream.indirect_vreg.scatter [tilespmem:s16], [sflag:$0x8], $0x80, v52, vm0, $0xb8;
	[tilespmem:$0x1D500] =	vst v63  }
0x6d: {  	_ = 	snop  }
0x6e: {  	[hbm4b:s1+s3] =	stream.indirect_vreg.scatter [tilespmem:s17], [sflag:$0x8], $0x80, v51, vm0, $0xb8;
	[tilespmem:$0x1D500] =	vst v63  }
0x6f: {  	v51 =	vld [tilespmem:$0x1C030];
	_ =	sdelay $0x4  }
0x70: {  	v59 =	vshll.u32 v51, $0x1  }
0x71: {  	v51 =	vand.u32 $0x7, v51;
	v52 =	vand.u32 $0xFFFFFFF0, v59  }
0x72: {  	v51 =	vor.u32 v51, v52  }
0x73: {  	v52 =	vperm.xlane v51, v32;
	_ =	sdelay $0x1  }
0x74: {  	v51 =	vperm.xlane v51, v34;
	v52 =	vadd.s32 v33, v52;
	_ =	sdelay $0x1  }
0x75: {  	v51 =	vadd.s32 v33, v51;
	_ =	sdelay $0x2  }
0x76: {  	[hbm4b:s1+s3] =	stream.indirect_vreg.scatter [tilespmem:s18], [sflag:$0x8], $0x80, v52, vm0, $0xb8;
	[tilespmem:$0x1D500] =	vst v63  }
0x77: {  	_ = 	snop  }
0x78: {  	[hbm4b:s1+s3] =	stream.indirect_vreg.scatter [tilespmem:s20], [sflag:$0x8], $0x80, v51, vm0, $0xb8;
	[tilespmem:$0x1D500] =	vst v63  }
0x79: {  	_ =	swait.ge [sflag:s19], $0x4000  }
0x7a: {  	[sflag:s19] =	ssyncset.done $0x0  }
0x7b: {  	s6 =	rddreg [dreg:$0x10];
	[sflag:s19] =	ssyncadd.s32 $0xFFFFC000  }
0x7c: {  	[tilespmem:s3], [sflag:$0x1] =	stream.linear.gather [hbm4b:s6+s3], $0x4000, $0x38;
	[tilespmem:$0x1D500] =	vst v63  }
0x7d: {  	s6 =	simm.s32 $0x2  }
0x7e: {  	_ =	swait.ge [sflag:s6], $0x4000  }
0x7f: {  	[sflag:s6] =	ssyncset.done $0x0  }
0x80: {  	[sflag:s6] =	ssyncadd.s32 $0xFFFFC000  }
0x81: {  	[tilespmem:$0x1C080] =	vst v4  }
0x82: {  	[tilespmem:$0x1C090] =	vst v5  }
0x83: {  	[tilespmem:$0x1C0A0] =	vst v6  }
0x84: {  	[tilespmem:$0x1C0B0] =	vst v7  }
0x85: {  	[hbm4b:s1+s3] =	stream.indirect_vreg.scatter [tilespmem:s7], [sflag:$0x9], $0x80, v37, vm0, $0xb8;
	[tilespmem:$0x1D500] =	vst v63  }
0x86: {  	s6 =	rddreg [dreg:$0x11]  }
0x87: {  	[hbm4b:s1+s3] =	stream.indirect_vreg.scatter [tilespmem:s6], [sflag:$0x9], $0x80, v38, vm0, $0xb8;
	[tilespmem:$0x1D500] =	vst v63  }
0x88: {  	v60 =	vld [tilespmem:$0x1C090];
	_ =	sdelay $0x4  }
0x89: {  	v61 =	vshll.u32 v60, $0x1  }
0x8a: {  	v51 =	vand.u32 $0x7, v60;
	v52 =	vand.u32 $0xFFFFFFF0, v61  }
0x8b: {  	v51 =	vor.u32 v51, v52  }
0x8c: {  	v52 =	vperm.xlane v51, v32;
	_ =	sdelay $0x1  }
0x8d: {  	v51 =	vperm.xlane v51, v34;
	v52 =	vadd.s32 v33, v52;
	_ =	sdelay $0x1  }
0x8e: {  	v51 =	vadd.s32 v33, v51;
	_ =	sdelay $0x1  }
0x8f: {  	s6 =	rddreg [dreg:$0x12]  }
0x90: {  	[hbm4b:s1+s3] =	stream.indirect_vreg.scatter [tilespmem:s6], [sflag:$0x9], $0x80, v52, vm0, $0xb8;
	[tilespmem:$0x1D500] =	vst v63  }
0x91: {  	s7 =	rddreg [dreg:$0x13]  }
0x92: {  	[hbm4b:s1+s3] =	stream.indirect_vreg.scatter [tilespmem:s7], [sflag:$0x9], $0x80, v51, vm0, $0xb8;
	[tilespmem:$0x1D500] =	vst v63  }
0x93: {  	v51 =	vld [tilespmem:$0x1C0A0];
	_ =	sdelay $0x4  }
0x94: {  	v62 =	vshll.u32 v51, $0x1  }
0x95: {  	v51 =	vand.u32 $0x7, v51;
	v52 =	vand.u32 $0xFFFFFFF0, v62  }
0x96: {  	v51 =	vor.u32 v51, v52  }
0x97: {  	v52 =	vperm.xlane v51, v32;
	_ =	sdelay $0x1  }
0x98: {  	v51 =	vperm.xlane v51, v34;
	v52 =	vadd.s32 v33, v52;
	_ =	sdelay $0x1  }
0x99: {  	v51 =	vadd.s32 v33, v51;
	_ =	sdelay $0x1  }
0x9a: {  	s6 =	rddreg [dreg:$0x14]  }
0x9b: {  	[hbm4b:s1+s3] =	stream.indirect_vreg.scatter [tilespmem:s6], [sflag:$0x9], $0x80, v52, vm0, $0xb8;
	[tilespmem:$0x1D500] =	vst v63  }
0x9c: {  	s7 =	rddreg [dreg:$0x15]  }
0x9d: {  	[hbm4b:s1+s3] =	stream.indirect_vreg.scatter [tilespmem:s7], [sflag:$0x9], $0x80, v51, vm0, $0xb8;
	[tilespmem:$0x1D500] =	vst v63  }
0x9e: {  	v51 =	vld [tilespmem:$0x1C0B0];
	_ =	sdelay $0x4  }
0x9f: {  	v63 =	vshll.u32 v51, $0x1  }
0xa0: {  	v51 =	vand.u32 $0x7, v51;
	v52 =	vand.u32 $0xFFFFFFF0, v63  }
0xa1: {  	v51 =	vor.u32 v51, v52  }
0xa2: {  	v52 =	vperm.xlane v51, v32;
	_ =	sdelay $0x1  }
0xa3: {  	v51 =	vperm.xlane v51, v34;
	v52 =	vadd.s32 v33, v52;
	_ =	sdelay $0x1  }
0xa4: {  	v51 =	vadd.s32 v33, v51;
	_ =	sdelay $0x1  }
0xa5: {  	s6 =	rddreg [dreg:$0x16]  }
0xa6: {  	[hbm4b:s1+s3] =	stream.indirect_vreg.scatter [tilespmem:s6], [sflag:$0x9], $0x80, v52, vm0, $0xb8;
	[tilespmem:$0x1D500] =	vst v63  }
0xa7: {  	s7 =	rddreg [dreg:$0x17]  }
0xa8: {  	[hbm4b:s1+s3] =	stream.indirect_vreg.scatter [tilespmem:s7], [sflag:$0x9], $0x80, v51, vm0, $0xb8;
	[tilespmem:$0x1D500] =	vst v63  }
0xa9: {  	_ =	swait.ge [sflag:s21], $0x4000  }
0xaa: {  	[sflag:s21] =	ssyncset.done $0x0  }
0xab: {  	[sflag:s21] =	ssyncadd.s32 $0xFFFFC000  }
0xac: {  	[tilespmem:$0x1C100] =	vst v8  }
0xad: {  	[tilespmem:$0x1C110] =	vst v9  }
0xae: {  	[tilespmem:$0x1C120] =	vst v10  }
0xaf: {  	[tilespmem:$0x1C130] =	vst v11  }
0xb0: {  	[hbm4b:s1+s3] =	stream.indirect_vreg.scatter [tilespmem:s8], [sflag:$0xA], $0x80, v39, vm0, $0xb8;
	[tilespmem:$0x1D500] =	vst v63  }
0xb1: {  	s6 =	rddreg [dreg:$0x18]  }
0xb2: {  	[hbm4b:s1+s3] =	stream.indirect_vreg.scatter [tilespmem:s6], [sflag:$0xA], $0x80, v40, vm0, $0xb8;
	[tilespmem:$0x1D500] =	vst v63  }
0xb3: {  	v56 =	vld [tilespmem:$0x1C110];
	_ =	sdelay $0x4  }
0xb4: {  	v57 =	vshll.u32 v56, $0x1  }
0xb5: {  	v51 =	vand.u32 $0x7, v56;
	v52 =	vand.u32 $0xFFFFFFF0, v57  }
0xb6: {  	v51 =	vor.u32 v51, v52  }
0xb7: {  	v52 =	vperm.xlane v51, v32;
	_ =	sdelay $0x1  }
0xb8: {  	v51 =	vperm.xlane v51, v34;
	v52 =	vadd.s32 v33, v52;
	_ =	sdelay $0x1  }
0xb9: {  	v51 =	vadd.s32 v33, v51;
	_ =	sdelay $0x1  }
0xba: {  	s7 =	rddreg [dreg:$0x19]  }
0xbb: {  	[hbm4b:s1+s3] =	stream.indirect_vreg.scatter [tilespmem:s7], [sflag:$0xA], $0x80, v52, vm0, $0xb8;
	[tilespmem:$0x1D500] =	vst v63  }
0xbc: {  	s8 =	rddreg [dreg:$0x1a]  }
0xbd: {  	[hbm4b:s1+s3] =	stream.indirect_vreg.scatter [tilespmem:s8], [sflag:$0xA], $0x80, v51, vm0, $0xb8;
	[tilespmem:$0x1D500] =	vst v63  }
0xbe: {  	v51 =	vld [tilespmem:$0x1C120];
	_ =	sdelay $0x4  }
0xbf: {  	v58 =	vshll.u32 v51, $0x1  }
0xc0: {  	v51 =	vand.u32 $0x7, v51;
	v52 =	vand.u32 $0xFFFFFFF0, v58  }
0xc1: {  	v51 =	vor.u32 v51, v52  }
0xc2: {  	v52 =	vperm.xlane v51, v32;
	_ =	sdelay $0x1  }
0xc3: {  	v51 =	vperm.xlane v51, v34;
	v52 =	vadd.s32 v33, v52;
	_ =	sdelay $0x1  }
0xc4: {  	v51 =	vadd.s32 v33, v51;
	_ =	sdelay $0x1  }
0xc5: {  	s7 =	rddreg [dreg:$0x1b]  }
0xc6: {  	[hbm4b:s1+s3] =	stream.indirect_vreg.scatter [tilespmem:s7], [sflag:$0xA], $0x80, v52, vm0, $0xb8;
	[tilespmem:$0x1D500] =	vst v63  }
0xc7: {  	s8 =	rddreg [dreg:$0x1c]  }
0xc8: {  	[hbm4b:s1+s3] =	stream.indirect_vreg.scatter [tilespmem:s8], [sflag:$0xA], $0x80, v51, vm0, $0xb8;
	[tilespmem:$0x1D500] =	vst v63  }
0xc9: {  	v51 =	vld [tilespmem:$0x1C130];
	_ =	sdelay $0x4  }
0xca: {  	v59 =	vshll.u32 v51, $0x1  }
0xcb: {  	v51 =	vand.u32 $0x7, v51;
	v52 =	vand.u32 $0xFFFFFFF0, v59  }
0xcc: {  	v51 =	vor.u32 v51, v52  }
0xcd: {  	v52 =	vperm.xlane v51, v32;
	_ =	sdelay $0x1  }
0xce: {  	v51 =	vperm.xlane v51, v34;
	v52 =	vadd.s32 v33, v52;
	_ =	sdelay $0x1  }
0xcf: {  	v51 =	vadd.s32 v33, v51;
	_ =	sdelay $0x1  }
0xd0: {  	s7 =	rddreg [dreg:$0x1d]  }
0xd1: {  	[hbm4b:s1+s3] =	stream.indirect_vreg.scatter [tilespmem:s7], [sflag:$0xA], $0x80, v52, vm0, $0xb8;
	[tilespmem:$0x1D500] =	vst v63  }
0xd2: {  	s8 =	rddreg [dreg:$0x1e]  }
0xd3: {  	[hbm4b:s1+s3] =	stream.indirect_vreg.scatter [tilespmem:s8], [sflag:$0xA], $0x80, v51, vm0, $0xb8;
	[tilespmem:$0x1D500] =	vst v63  }
0xd4: {  	_ =	swait.ge [sflag:s22], $0x4000  }
0xd5: {  	[sflag:s22] =	ssyncset.done $0x0  }
0xd6: {  	[sflag:s22] =	ssyncadd.s32 $0xFFFFC000  }
0xd7: {  	[tilespmem:$0x1C180] =	vst v12  }
0xd8: {  	[tilespmem:$0x1C190] =	vst v13  }
0xd9: {  	[tilespmem:$0x1C1A0] =	vst v14  }
0xda: {  	[tilespmem:$0x1C1B0] =	vst v15  }
0xdb: {  	[hbm4b:s1+s3] =	stream.indirect_vreg.scatter [tilespmem:s9], [sflag:$0xB], $0x80, v41, vm0, $0xb8;
	[tilespmem:$0x1D500] =	vst v63  }
0xdc: {  	s6 =	rddreg [dreg:$0x1f]  }
0xdd: {  	[hbm4b:s1+s3] =	stream.indirect_vreg.scatter [tilespmem:s6], [sflag:$0xB], $0x80, v42, vm0, $0xb8;
	[tilespmem:$0x1D500] =	vst v63  }
0xde: {  	v60 =	vld [tilespmem:$0x1C190];
	_ =	sdelay $0x4  }
0xdf: {  	v61 =	vshll.u32 v60, $0x1  }
0xe0: {  	v51 =	vand.u32 $0x7, v60;
	v52 =	vand.u32 $0xFFFFFFF0, v61  }
0xe1: {  	v51 =	vor.u32 v51, v52  }
0xe2: {  	v52 =	vperm.xlane v51, v32;
	_ =	sdelay $0x1  }
0xe3: {  	v51 =	vperm.xlane v51, v34;
	v52 =	vadd.s32 v33, v52;
	_ =	sdelay $0x1  }
0xe4: {  	s7 =	sld [smem:$0x7E3];
	v51 =	vadd.s32 v33, v51;
	_ =	sdelay $0x1  }
0xe5: {  	s8 =	sld [smem:$0x7E4]  }
0xe6: {  	[hbm4b:s1+s3] =	stream.indirect_vreg.scatter [tilespmem:s7], [sflag:$0xB], $0x80, v52, vm0, $0xb8;
	[tilespmem:$0x1D500] =	vst v63  }
0xe7: {  	_ = 	snop  }
0xe8: {  	[hbm4b:s1+s3] =	stream.indirect_vreg.scatter [tilespmem:s8], [sflag:$0xB], $0x80, v51, vm0, $0xb8;
	[tilespmem:$0x1D500] =	vst v63  }
0xe9: {  	v51 =	vld [tilespmem:$0x1C1A0];
	_ =	sdelay $0x4  }
0xea: {  	v62 =	vshll.u32 v51, $0x1  }
0xeb: {  	v51 =	vand.u32 $0x7, v51;
	v52 =	vand.u32 $0xFFFFFFF0, v62  }
0xec: {  	v51 =	vor.u32 v51, v52  }
0xed: {  	v52 =	vperm.xlane v51, v32;
	_ =	sdelay $0x1  }
0xee: {  	v51 =	vperm.xlane v51, v34;
	v52 =	vadd.s32 v33, v52;
	_ =	sdelay $0x1  }
0xef: {  	s7 =	sld [smem:$0x7E5];
	v51 =	vadd.s32 v33, v51;
	_ =	sdelay $0x1  }
0xf0: {  	s8 =	sld [smem:$0x7E6]  }
0xf1: {  	[hbm4b:s1+s3] =	stream.indirect_vreg.scatter [tilespmem:s7], [sflag:$0xB], $0x80, v52, vm0, $0xb8;
	[tilespmem:$0x1D500] =	vst v63  }
0xf2: {  	_ = 	snop  }
0xf3: {  	[hbm4b:s1+s3] =	stream.indirect_vreg.scatter [tilespmem:s8], [sflag:$0xB], $0x80, v51, vm0, $0xb8;
	[tilespmem:$0x1D500] =	vst v63  }
0xf4: {  	v51 =	vld [tilespmem:$0x1C1B0];
	_ =	sdelay $0x4  }
0xf5: {  	v63 =	vshll.u32 v51, $0x1  }
0xf6: {  	v51 =	vand.u32 $0x7, v51;
	v52 =	vand.u32 $0xFFFFFFF0, v63  }
0xf7: {  	v51 =	vor.u32 v51, v52  }
0xf8: {  	v52 =	vperm.xlane v51, v32;
	_ =	sdelay $0x1  }
0xf9: {  	v51 =	vperm.xlane v51, v34;
	v52 =	vadd.s32 v33, v52;
	_ =	sdelay $0x1  }
0xfa: {  	s7 =	sld [smem:$0x7E7];
	v51 =	vadd.s32 v33, v51;
	_ =	sdelay $0x1  }
0xfb: {  	s8 =	sld [smem:$0x7E8]  }
0xfc: {  	[hbm4b:s1+s3] =	stream.indirect_vreg.scatter [tilespmem:s7], [sflag:$0xB], $0x80, v52, vm0, $0xb8;
	[tilespmem:$0x1D500] =	vst v63  }
0xfd: {  	_ = 	snop  }
0xfe: {  	[hbm4b:s1+s3] =	stream.indirect_vreg.scatter [tilespmem:s8], [sflag:$0xB], $0x80, v51, vm0, $0xb8;
	[tilespmem:$0x1D500] =	vst v63  }
0xff: {  	_ =	swait.ge [sflag:s23], $0x4000  }
0x100: {  	[sflag:s23] =	ssyncset.done $0x0  }
0x101: {  	[sflag:s23] =	ssyncadd.s32 $0xFFFFC000  }
0x102: {  	[tilespmem:$0x1C200] =	vst v16  }
0x103: {  	[tilespmem:$0x1C210] =	vst v17  }
0x104: {  	[tilespmem:$0x1C220] =	vst v18  }
0x105: {  	s6 =	sld [smem:$0x7E9];
	[tilespmem:$0x1C230] =	vst v19  }
0x106: {  	[hbm4b:s1+s3] =	stream.indirect_vreg.scatter [tilespmem:s10], [sflag:$0xC], $0x80, v43, vm0, $0xb8;
	[tilespmem:$0x1D500] =	vst v63  }
0x107: {  	_ = 	snop  }
0x108: {  	[hbm4b:s1+s3] =	stream.indirect_vreg.scatter [tilespmem:s6], [sflag:$0xC], $0x80, v44, vm0, $0xb8;
	[tilespmem:$0x1D500] =	vst v63  }
0x109: {  	v56 =	vld [tilespmem:$0x1C210];
	_ =	sdelay $0x4  }
0x10a: {  	v57 =	vshll.u32 v56, $0x1  }
0x10b: {  	v51 =	vand.u32 $0x7, v56;
	v52 =	vand.u32 $0xFFFFFFF0, v57  }
0x10c: {  	v51 =	vor.u32 v51, v52  }
0x10d: {  	v52 =	vperm.xlane v51, v32;
	_ =	sdelay $0x1  }
0x10e: {  	v51 =	vperm.xlane v51, v34;
	v52 =	vadd.s32 v33, v52;
	_ =	sdelay $0x1  }
0x10f: {  	s7 =	sld [smem:$0x7EA];
	v51 =	vadd.s32 v33, v51;
	_ =	sdelay $0x1  }
0x110: {  	s8 =	sld [smem:$0x7EB]  }
0x111: {  	[hbm4b:s1+s3] =	stream.indirect_vreg.scatter [tilespmem:s7], [sflag:$0xC], $0x80, v52, vm0, $0xb8;
	[tilespmem:$0x1D500] =	vst v63  }
0x112: {  	_ = 	snop  }
0x113: {  	[hbm4b:s1+s3] =	stream.indirect_vreg.scatter [tilespmem:s8], [sflag:$0xC], $0x80, v51, vm0, $0xb8;
	[tilespmem:$0x1D500] =	vst v63  }
0x114: {  	v51 =	vld [tilespmem:$0x1C220];
	_ =	sdelay $0x4  }
0x115: {  	v58 =	vshll.u32 v51, $0x1  }
0x116: {  	v51 =	vand.u32 $0x7, v51;
	v52 =	vand.u32 $0xFFFFFFF0, v58  }
0x117: {  	v51 =	vor.u32 v51, v52  }
0x118: {  	v52 =	vperm.xlane v51, v32;
	_ =	sdelay $0x1  }
0x119: {  	v51 =	vperm.xlane v51, v34;
	v52 =	vadd.s32 v33, v52;
	_ =	sdelay $0x1  }
0x11a: {  	s7 =	sld [smem:$0x7EC];
	v51 =	vadd.s32 v33, v51;
	_ =	sdelay $0x1  }
0x11b: {  	s8 =	sld [smem:$0x7ED]  }
0x11c: {  	[hbm4b:s1+s3] =	stream.indirect_vreg.scatter [tilespmem:s7], [sflag:$0xC], $0x80, v52, vm0, $0xb8;
	[tilespmem:$0x1D500] =	vst v63  }
0x11d: {  	_ = 	snop  }
0x11e: {  	[hbm4b:s1+s3] =	stream.indirect_vreg.scatter [tilespmem:s8], [sflag:$0xC], $0x80, v51, vm0, $0xb8;
	[tilespmem:$0x1D500] =	vst v63  }
0x11f: {  	v51 =	vld [tilespmem:$0x1C230];
	_ =	sdelay $0x4  }
0x120: {  	v59 =	vshll.u32 v51, $0x1  }
0x121: {  	v51 =	vand.u32 $0x7, v51;
	v52 =	vand.u32 $0xFFFFFFF0, v59  }
0x122: {  	v51 =	vor.u32 v51, v52  }
0x123: {  	v52 =	vperm.xlane v51, v32;
	_ =	sdelay $0x1  }
0x124: {  	v51 =	vperm.xlane v51, v34;
	v52 =	vadd.s32 v33, v52;
	_ =	sdelay $0x1  }
0x125: {  	s7 =	sld [smem:$0x7EE];
	v51 =	vadd.s32 v33, v51;
	_ =	sdelay $0x1  }
0x126: {  	s8 =	sld [smem:$0x7EF]  }
0x127: {  	[hbm4b:s1+s3] =	stream.indirect_vreg.scatter [tilespmem:s7], [sflag:$0xC], $0x80, v52, vm0, $0xb8;
	[tilespmem:$0x1D500] =	vst v63  }
0x128: {  	_ = 	snop  }
0x129: {  	[hbm4b:s1+s3] =	stream.indirect_vreg.scatter [tilespmem:s8], [sflag:$0xC], $0x80, v51, vm0, $0xb8;
	[tilespmem:$0x1D500] =	vst v63  }
0x12a: {  	_ =	swait.ge [sflag:s24], $0x4000  }
0x12b: {  	[sflag:s24] =	ssyncset.done $0x0  }
0x12c: {  	[sflag:s24] =	ssyncadd.s32 $0xFFFFC000  }
0x12d: {  	[tilespmem:$0x1C280] =	vst v20  }
0x12e: {  	[tilespmem:$0x1C290] =	vst v21  }
0x12f: {  	[tilespmem:$0x1C2A0] =	vst v22  }
0x130: {  	s6 =	sld [smem:$0x7F0];
	[tilespmem:$0x1C2B0] =	vst v23  }
0x131: {  	[hbm4b:s1+s3] =	stream.indirect_vreg.scatter [tilespmem:s11], [sflag:$0xD], $0x80, v45, vm0, $0xb8;
	[tilespmem:$0x1D500] =	vst v63  }
0x132: {  	_ = 	snop  }
0x133: {  	[hbm4b:s1+s3] =	stream.indirect_vreg.scatter [tilespmem:s6], [sflag:$0xD], $0x80, v46, vm0, $0xb8;
	[tilespmem:$0x1D500] =	vst v63  }
0x134: {  	v60 =	vld [tilespmem:$0x1C290];
	_ =	sdelay $0x4  }
0x135: {  	v61 =	vshll.u32 v60, $0x1  }
0x136: {  	v51 =	vand.u32 $0x7, v60;
	v52 =	vand.u32 $0xFFFFFFF0, v61  }
0x137: {  	v51 =	vor.u32 v51, v52  }
0x138: {  	v52 =	vperm.xlane v51, v32;
	_ =	sdelay $0x1  }
0x139: {  	v51 =	vperm.xlane v51, v34;
	v52 =	vadd.s32 v33, v52;
	_ =	sdelay $0x1  }
0x13a: {  	s7 =	sld [smem:$0x7F1];
	v51 =	vadd.s32 v33, v51;
	_ =	sdelay $0x1  }
0x13b: {  	s8 =	sld [smem:$0x7F2]  }
0x13c: {  	[hbm4b:s1+s3] =	stream.indirect_vreg.scatter [tilespmem:s7], [sflag:$0xD], $0x80, v52, vm0, $0xb8;
	[tilespmem:$0x1D500] =	vst v63  }
0x13d: {  	_ = 	snop  }
0x13e: {  	[hbm4b:s1+s3] =	stream.indirect_vreg.scatter [tilespmem:s8], [sflag:$0xD], $0x80, v51, vm0, $0xb8;
	[tilespmem:$0x1D500] =	vst v63  }
0x13f: {  	v51 =	vld [tilespmem:$0x1C2A0];
	_ =	sdelay $0x4  }
0x140: {  	v62 =	vshll.u32 v51, $0x1  }
0x141: {  	v51 =	vand.u32 $0x7, v51;
	v52 =	vand.u32 $0xFFFFFFF0, v62  }
0x142: {  	v51 =	vor.u32 v51, v52  }
0x143: {  	v52 =	vperm.xlane v51, v32;
	_ =	sdelay $0x1  }
0x144: {  	v51 =	vperm.xlane v51, v34;
	v52 =	vadd.s32 v33, v52;
	_ =	sdelay $0x1  }
0x145: {  	s7 =	sld [smem:$0x7F3];
	v51 =	vadd.s32 v33, v51;
	_ =	sdelay $0x1  }
0x146: {  	s8 =	sld [smem:$0x7F4]  }
0x147: {  	[hbm4b:s1+s3] =	stream.indirect_vreg.scatter [tilespmem:s7], [sflag:$0xD], $0x80, v52, vm0, $0xb8;
	[tilespmem:$0x1D500] =	vst v63  }
0x148: {  	_ = 	snop  }
0x149: {  	[hbm4b:s1+s3] =	stream.indirect_vreg.scatter [tilespmem:s8], [sflag:$0xD], $0x80, v51, vm0, $0xb8;
	[tilespmem:$0x1D500] =	vst v63  }
0x14a: {  	v51 =	vld [tilespmem:$0x1C2B0];
	_ =	sdelay $0x4  }
0x14b: {  	v63 =	vshll.u32 v51, $0x1  }
0x14c: {  	v51 =	vand.u32 $0x7, v51;
	v52 =	vand.u32 $0xFFFFFFF0, v63  }
0x14d: {  	v51 =	vor.u32 v51, v52  }
0x14e: {  	v52 =	vperm.xlane v51, v32;
	_ =	sdelay $0x1  }
0x14f: {  	v51 =	vperm.xlane v51, v34;
	v52 =	vadd.s32 v33, v52;
	_ =	sdelay $0x1  }
0x150: {  	s7 =	sld [smem:$0x7F5];
	v51 =	vadd.s32 v33, v51;
	_ =	sdelay $0x1  }
0x151: {  	s8 =	sld [smem:$0x7F6]  }
0x152: {  	[hbm4b:s1+s3] =	stream.indirect_vreg.scatter [tilespmem:s7], [sflag:$0xD], $0x80, v52, vm0, $0xb8;
	[tilespmem:$0x1D500] =	vst v63  }
0x153: {  	_ = 	snop  }
0x154: {  	[hbm4b:s1+s3] =	stream.indirect_vreg.scatter [tilespmem:s8], [sflag:$0xD], $0x80, v51, vm0, $0xb8;
	[tilespmem:$0x1D500] =	vst v63  }
0x155: {  	_ =	swait.ge [sflag:s25], $0x4000  }
0x156: {  	[sflag:s25] =	ssyncset.done $0x0  }
0x157: {  	[sflag:s25] =	ssyncadd.s32 $0xFFFFC000  }
0x158: {  	[tilespmem:$0x1C300] =	vst v24  }
0x159: {  	[tilespmem:$0x1C310] =	vst v25  }
0x15a: {  	[tilespmem:$0x1C320] =	vst v26  }
0x15b: {  	s6 =	sld [smem:$0x7F7];
	[tilespmem:$0x1C330] =	vst v27  }
0x15c: {  	[hbm4b:s1+s3] =	stream.indirect_vreg.scatter [tilespmem:s12], [sflag:$0xE], $0x80, v47, vm0, $0xb8;
	[tilespmem:$0x1D500] =	vst v63  }
0x15d: {  	_ = 	snop  }
0x15e: {  	[hbm4b:s1+s3] =	stream.indirect_vreg.scatter [tilespmem:s6], [sflag:$0xE], $0x80, v48, vm0, $0xb8;
	[tilespmem:$0x1D500] =	vst v63  }
0x15f: {  	v56 =	vld [tilespmem:$0x1C310];
	_ =	sdelay $0x4  }
0x160: {  	v57 =	vshll.u32 v56, $0x1  }
0x161: {  	v51 =	vand.u32 $0x7, v56;
	v52 =	vand.u32 $0xFFFFFFF0, v57  }
0x162: {  	v51 =	vor.u32 v51, v52  }
0x163: {  	v52 =	vperm.xlane v51, v32;
	_ =	sdelay $0x1  }
0x164: {  	v51 =	vperm.xlane v51, v34;
	v52 =	vadd.s32 v33, v52;
	_ =	sdelay $0x1  }
0x165: {  	s7 =	sld [smem:$0x7F8];
	v51 =	vadd.s32 v33, v51;
	_ =	sdelay $0x1  }
0x166: {  	s8 =	sld [smem:$0x7F9]  }
0x167: {  	[hbm4b:s1+s3] =	stream.indirect_vreg.scatter [tilespmem:s7], [sflag:$0xE], $0x80, v52, vm0, $0xb8;
	[tilespmem:$0x1D500] =	vst v63  }
0x168: {  	_ = 	snop  }
0x169: {  	[hbm4b:s1+s3] =	stream.indirect_vreg.scatter [tilespmem:s8], [sflag:$0xE], $0x80, v51, vm0, $0xb8;
	[tilespmem:$0x1D500] =	vst v63  }
0x16a: {  	v51 =	vld [tilespmem:$0x1C320];
	_ =	sdelay $0x4  }
0x16b: {  	v58 =	vshll.u32 v51, $0x1  }
0x16c: {  	v51 =	vand.u32 $0x7, v51;
	v52 =	vand.u32 $0xFFFFFFF0, v58  }
0x16d: {  	v51 =	vor.u32 v51, v52  }
0x16e: {  	v52 =	vperm.xlane v51, v32;
	_ =	sdelay $0x1  }
0x16f: {  	v51 =	vperm.xlane v51, v34;
	v52 =	vadd.s32 v33, v52;
	_ =	sdelay $0x1  }
0x170: {  	s7 =	sld [smem:$0x7FA];
	v51 =	vadd.s32 v33, v51;
	_ =	sdelay $0x1  }
0x171: {  	s8 =	sld [smem:$0x7FB]  }
0x172: {  	[hbm4b:s1+s3] =	stream.indirect_vreg.scatter [tilespmem:s7], [sflag:$0xE], $0x80, v52, vm0, $0xb8;
	[tilespmem:$0x1D500] =	vst v63  }
0x173: {  	_ = 	snop  }
0x174: {  	[hbm4b:s1+s3] =	stream.indirect_vreg.scatter [tilespmem:s8], [sflag:$0xE], $0x80, v51, vm0, $0xb8;
	[tilespmem:$0x1D500] =	vst v63  }
0x175: {  	v51 =	vld [tilespmem:$0x1C330];
	_ =	sdelay $0x4  }
0x176: {  	v59 =	vshll.u32 v51, $0x1  }
0x177: {  	v51 =	vand.u32 $0x7, v51;
	v52 =	vand.u32 $0xFFFFFFF0, v59  }
0x178: {  	v51 =	vor.u32 v51, v52  }
0x179: {  	v52 =	vperm.xlane v51, v32;
	_ =	sdelay $0x1  }
0x17a: {  	v51 =	vperm.xlane v51, v34;
	v52 =	vadd.s32 v33, v52;
	_ =	sdelay $0x1  }
0x17b: {  	s7 =	sld [smem:$0x7FC];
	v51 =	vadd.s32 v33, v51;
	_ =	sdelay $0x1  }
0x17c: {  	s8 =	sld [smem:$0x7FD]  }
0x17d: {  	[hbm4b:s1+s3] =	stream.indirect_vreg.scatter [tilespmem:s7], [sflag:$0xE], $0x80, v52, vm0, $0xb8;
	[tilespmem:$0x1D500] =	vst v63  }
0x17e: {  	_ = 	snop  }
0x17f: {  	[hbm4b:s1+s3] =	stream.indirect_vreg.scatter [tilespmem:s8], [sflag:$0xE], $0x80, v51, vm0, $0xb8;
	[tilespmem:$0x1D500] =	vst v63  }
0x180: {  	_ =	swait.ge [sflag:s4], $0x4000  }
0x181: {  	[sflag:s4] =	ssyncset.done $0x0  }
0x182: {  	[sflag:s4] =	ssyncadd.s32 $0xFFFFC000  }
0x183: {  	[tilespmem:$0x1C380] =	vst v28  }
0x184: {  	[tilespmem:$0x1C390] =	vst v29  }
0x185: {  	[tilespmem:$0x1C3A0] =	vst v30  }
0x186: {  	[tilespmem:$0x1C3B0] =	vst v31  }
0x187: {  	[hbm4b:s1+s3] =	stream.indirect_vreg.scatter [tilespmem:s3], [sflag:$0x8], $0x80, v49, vm0, $0xb8;
	[tilespmem:$0x1D500] =	vst v63  }
0x188: {  	_ = 	snop  }
0x189: {  	[hbm4b:s1+s3] =	stream.indirect_vreg.scatter [tilespmem:s13], [sflag:$0x8], $0x80, v50, vm0, $0xb8;
	[tilespmem:$0x1D500] =	vst v63  }
0x18a: {  	v60 =	vld [tilespmem:$0x1C390];
	_ =	sdelay $0x4  }
0x18b: {  	v61 =	vshll.u32 v60, $0x1  }
0x18c: {  	v51 =	vand.u32 $0x7, v60;
	v52 =	vand.u32 $0xFFFFFFF0, v61  }
0x18d: {  	v51 =	vor.u32 v51, v52  }
0x18e: {  	v52 =	vperm.xlane v51, v32;
	_ =	sdelay $0x1  }
0x18f: {  	v51 =	vperm.xlane v51, v34;
	v52 =	vadd.s32 v33, v52;
	_ =	sdelay $0x1  }
0x190: {  	v51 =	vadd.s32 v33, v51;
	_ =	sdelay $0x2  }
0x191: {  	[hbm4b:s1+s3] =	stream.indirect_vreg.scatter [tilespmem:s14], [sflag:$0x8], $0x80, v52, vm0, $0xb8;
	[tilespmem:$0x1D500] =	vst v63  }
0x192: {  	_ = 	snop  }
0x193: {  	[hbm4b:s1+s3] =	stream.indirect_vreg.scatter [tilespmem:s15], [sflag:$0x8], $0x80, v51, vm0, $0xb8;
	[tilespmem:$0x1D500] =	vst v63  }
0x194: {  	v51 =	vld [tilespmem:$0x1C3A0];
	_ =	sdelay $0x4  }
0x195: {  	v62 =	vshll.u32 v51, $0x1  }
0x196: {  	v51 =	vand.u32 $0x7, v51;
	v52 =	vand.u32 $0xFFFFFFF0, v62  }
0x197: {  	v51 =	vor.u32 v51, v52  }
0x198: {  	v52 =	vperm.xlane v51, v32;
	_ =	sdelay $0x1  }
0x199: {  	v51 =	vperm.xlane v51, v34;
	v52 =	vadd.s32 v33, v52;
	_ =	sdelay $0x1  }
0x19a: {  	v51 =	vadd.s32 v33, v51;
	_ =	sdelay $0x2  }
0x19b: {  	[hbm4b:s1+s3] =	stream.indirect_vreg.scatter [tilespmem:s16], [sflag:$0x8], $0x80, v52, vm0, $0xb8;
	[tilespmem:$0x1D500] =	vst v63  }
0x19c: {  	_ = 	snop  }
0x19d: {  	[hbm4b:s1+s3] =	stream.indirect_vreg.scatter [tilespmem:s17], [sflag:$0x8], $0x80, v51, vm0, $0xb8;
	[tilespmem:$0x1D500] =	vst v63  }
0x19e: {  	v51 =	vld [tilespmem:$0x1C3B0];
	_ =	sdelay $0x4  }
0x19f: {  	v63 =	vshll.u32 v51, $0x1  }
0x1a0: {  	v51 =	vand.u32 $0x7, v51;
	v52 =	vand.u32 $0xFFFFFFF0, v63  }
0x1a1: {  	v51 =	vor.u32 v51, v52  }
0x1a2: {  	v52 =	vperm.xlane v51, v32;
	_ =	sdelay $0x1  }
0x1a3: {  	v51 =	vperm.xlane v51, v34;
	v52 =	vadd.s32 v33, v52;
	_ =	sdelay $0x1  }
0x1a4: {  	v51 =	vadd.s32 v33, v51;
	_ =	sdelay $0x2  }
0x1a5: {  	[hbm4b:s1+s3] =	stream.indirect_vreg.scatter [tilespmem:s18], [sflag:$0x8], $0x80, v52, vm0, $0xb8;
	[tilespmem:$0x1D500] =	vst v63  }
0x1a6: {  	_ = 	snop  }
0x1a7: {  	[hbm4b:s1+s3] =	stream.indirect_vreg.scatter [tilespmem:s20], [sflag:$0x8], $0x80, v51, vm0, $0xb8;
	[tilespmem:$0x1D500] =	vst v63  }
0x1a8: {  	_ =	swait.ge [sflag:s26], $0x4000  }
0x1a9: {  	[sflag:s26] =	ssyncset.done $0x0  }
0x1aa: {  	[sflag:s26] =	ssyncadd.s32 $0xFFFFC000  }
0x1ab: {  	_ =	swait.ge [sflag:s28], $0x4000  }
0x1ac: {  	[sflag:s28] =	ssyncset.done $0x0  }
0x1ad: {  	[sflag:s28] =	ssyncadd.s32 $0xFFFFC000  }
0x1ae: {  	_ =	swait.ge [sflag:s29], $0x4000  }
0x1af: {  	[sflag:s29] =	ssyncset.done $0x0  }
0x1b0: {  	[sflag:s29] =	ssyncadd.s32 $0xFFFFC000  }
0x1b1: {  	_ =	swait.ge [sflag:s30], $0x4000  }
0x1b2: {  	[sflag:s30] =	ssyncset.done $0x0  }
0x1b3: {  	[sflag:s30] =	ssyncadd.s32 $0xFFFFC000  }
0x1b4: {  	_ =	swait.ge [sflag:s31], $0x4000  }
0x1b5: {  	[sflag:s31] =	ssyncset.done $0x0  }
0x1b6: {  	[sflag:s31] =	ssyncadd.s32 $0xFFFFC000  }
0x1b7: {  	_ =	swait.ge [sflag:s2], $0x4000  }
0x1b8: {  	[sflag:s2] =	ssyncset.done $0x0  }
0x1b9: {  	[sflag:s2] =	ssyncadd.s32 $0xFFFFC000  }
0x1ba: {  	_ =	swait.ge [sflag:s19], $0x4000  }
0x1bb: {  	s6 =	simm.s32 @p0 $0x0;
	[sflag:s19] =	ssyncset.done $0x0  }
0x1bc: {  	s7 =	simm.s32 @p0 $0x1D480;
	s0 =	rddreg [dreg:$0x7];
	[sflag:s19] =	ssyncadd.s32 $0xFFFFC000  }
0x1bd: {  	vm2 =	vcmask @!p1 $0x300;
	v51 =	vimm.s32 @!p1 $0x8017;
	[tilespmem:s7], [sflag:$0xF] =	stream.linear.gather @p0 [hbm4b:s0+s6], $0x11, $0x38;
	[tilespmem:$0x1D500] =	vst v63  }
0x1be: {  	v51 =	vsel @!p1 vm2, $0x800, v51;
	vm2 =	vcmask @!p1 $0x704;
	s0 =	simm.s32 @p0 $0xF  }
0x1bf: {  	v51 =	vsel @!p1 vm2, $0x1001, v51;
	_ =	swait.ge @p0 [sflag:s0], $0x11  }
0x1c0: {  	v51 =	vsel @!p1 vm3, $0x1802, v51;
	[sflag:s0] =	ssyncset.done @p0 $0x0  }
0x1c1: {  	v51 =	vsel @!p1 vm4, $0x2003, v51;
	[sflag:s0] =	ssyncadd.s32 @p0 $0xFFFFFFEF  }
0x1c2: {  	v51 =	vsel @!p1 vm5, $0x2804, v51;
	v52 =	vld @p0 [tilespmem:$0x1D480]  }
0x1c3: {  	v51 =	vsel @!p1 vm6, $0x3005, v51;
	v53 =	vld @p0 [tilespmem:$0x1D490]  }
0x1c4: {  	v51 =	vsel @!p1 vm7, $0x3806, v51  }
0x1c5: {  	v51 =	vsel @!p1 vm8, $0x4007, v51  }
0x1c6: {  	v54 =	vlaneseq.u32 @p0;
	v51 =	vsel @!p1 vm9, $0x4810, v51  }
0x1c7: {  	v51 =	vsel @!p1 vm10, $0x5011, v51;
	v52 =	vadd.s32 @p0 v54, v52;
	v54 =	vor.u32 @p0 $0x10, v54  }
0x1c8: {  	v51 =	vsel @!p1 vm11, $0x5812, v51;
	[tilespmem:$0x1D480] =	vst @p0 v52;
	v52 =	vadd.s32 @p0 v54, v53  }
0x1c9: {  	v51 =	vsel @!p1 vm12, $0x6013, v51;
	s8 =	rddreg [dreg:$0x8];
	[tilespmem:$0x1D490] =	vst @p0 v52  }
0x1ca: {  	v51 =	vsel @!p1 vm13, $0x6814, v51;
	[hbm4b:s8+s6] =	stream.linear.scatter @p0 [tilespmem:s7], [sflag:$0xF], $0x11, $0x38;
	[tilespmem:$0x1D500] =	vst v63  }
0x1cb: {  	v51 =	vsel @!p1 vm14, $0x7015, v51;
	v52 =	vlaneseq.u32 @!p1;
	_ =	swait.ge @p0 [sflag:s0], $0x11  }
0x1cc: {  	v51 =	vsel @!p1 vm15, $0x7816, v51;
	v53 =	vand.u32 @!p1 $0x7, v52;
	v54 =	vshrl.u32 @!p1 v52, $0x3;
	s7 =	simm.s32 @!p1 $0x1C400;
	[sflag:s0] =	ssyncset.done @p0 $0x0  }
0x1cd: {  	v53 =	vperm.xlane @!p1 v51, v53;
	v54 =	vmul.u32 @!p1 $0x8, v54;
	s6 =	rddreg [dreg:$0x6];
	[sflag:s0] =	ssyncadd.s32 @p0 $0xFFFFFFEF;
	s0 =	simm.s32 @!p1 $0x0  }
0x1ce: {  	v55 =	vor.u32 @!p1 $0x8, v52;
	[tilespmem:s7], [sflag:$0xF] =	stream.linear.gather @!p1 [hbm4b:s6+s0], $0x1000, $0x38;
	[tilespmem:$0x1D500] =	vst v63  }
0x1cf: {  	v51 =	vperm.xlane @!p1 v51, v55;
	v53 =	vadd.s32 @!p1 v54, v53;
	s6 =	simm.s32 @!p1 $0xF  }
0x1d0: {  	v52 =	vmul.u32 @!p1 $0x401, v52;
	_ =	swait.ge @!p1 [sflag:s6], $0x1000  }
0x1d1: {  	v51 =	vadd.s32 @!p1 v54, v51;
	[sflag:s6] =	ssyncset.done @!p1 $0x0  }
0x1d2: {  	s5 =	sadd.s32 $0xFFFFFFFF, s5;
	v52 =	vadd.s32 @!p1 $0x400, v52;
	[sflag:s6] =	ssyncadd.s32 @!p1 $0xFFFFF000  }
0x1d3: {  	p2 =	sne.s32 s5, $0x0;
	[tilespmem:$0x1D400] =	vst @!p1 v52  }
0x1d4: {  	[hbm4b:s1+s0] =	stream.indirect_vreg.scatter @!p1 [tilespmem:s7], [sflag:$0xF], $0x80, v53, vm1, $0xb8;
	[tilespmem:$0x1D500] =	vst v63  }
.Ltmp0:
0x1d5: {  	s7 =	simm.s32 @!p1 $0x1CC00;
	(pc) =	sbr.rel @p2 .LBB2_1-.Ltmp0, $4  }
0x1d6: {  	[hbm4b:s1+s0] =	stream.indirect_vreg.scatter @!p1 [tilespmem:s7], [sflag:$0xF], $0x80, v51, vm1, $0xb8;
	[tilespmem:$0x1D500] =	vst v63  }
0x1d7: {  	_ =	swait.ge @!p1 [sflag:s6], $0x1000  }
0x1d8: {  	[sflag:s6] =	ssyncset.done @!p1 $0x0  }
0x1d9: {  	[sflag:s6] =	ssyncadd.s32 @!p1 $0xFFFFF000  }
0x1da: {  	_ =	sfence.sel $0x180000  }
0x1db: {  	[bflag:$0x0] =	sbarrier.arrive $0xFFFF  }
0x1dc: {  	_ =	strace $0x90000047  }
0x1dd: {  	s0 =	stileid.u32;
	[bflag:$0x2] =	sbarrier.arrive $0xFFFF  }
0x1de: {  	p0 =	sne.s32 s0, $0x0;
	s0 =	rddreg [dreg:$0x5]  }
0x1df: {  	s0 =	sadd.s32 @!p0 $0x100000, s0  }
0x1e0: {  	[sflag:s0] =	ssyncadd.tile.s32 @!p0 $0x1;
	_ =	shalt  }
.Lfunc_end2:
_tile_overlayer_lowered:
.L_overlay_start_2:
0x1e1: {  	(tag) =	ssettag $0x2  }
0x1e2: {  	s0 =	rddreg [dreg:$0x0];
	s2 =	stileid.u32  }
0x1e3: {  	s1 =	rddreg [dreg:$0x1];
	p0 =	sne.s32 s2, $0x0  }
0x1e4: {  	s3 =	rddreg [dreg:$0x2];
	[bflag:$0x3] =	sbarrier.arrive $0xFFFF;
	s2 =	simm.s32 @!p0 $0x1C0F  }
0x1e5: {  	[timem:s3], [sflag:s2] =	dma.local @!p0 [hbm:s0], s1  }
0x1e6: {  	s0 =	simm.s32 @!p0 $0xF  }
0x1e7: {  	_ =	swait.ge @!p0 [sflag:s0], s1  }
0x1e8: {  	s1 =	ssub.s32 @!p0 $0x0, s1;
	[sflag:s0] =	ssyncset.done @!p0 $0x0  }
0x1e9: {  	[sflag:s0] =	ssyncadd.s32 @!p0 s1  }
0x1ea: {  	[bflag:$0x3] =	sbarrier.arrive $0xFFFF  }
0x1eb: {  	_ =	shalt  }

</sc_bundles>
